<compile_context>
chip_gen: v7x
topology: tpu7x:2x2x1
jax: 0.10.2.dev20260603
libtpu: 0.0.44.dev20260713+nightly
codegen_flags: <defaults>
</compile_context>

<pallas_src>
import jax
import jax.numpy as jnp
from jax import lax
from jax.experimental import pallas as pl
from jax.experimental.pallas import tpu as pltpu
from jax.experimental.pallas import tpu_sc as plsc

B, L, S, D = 1024, 200, 50, 128
NR = 6

NC, NS = 2, 16
NW = NC * NS
CH = 128

def _sc_gather_body(tab_i, tab_u, idx_i_hbm, idx_u_hbm, out_i, out_u,
                    idx_vi, idx_vu, buf0, buf1, sem, w0, w1):
    wid = lax.axis_index("s") * NC + lax.axis_index("c")

    def run(tab, idx_hbm, idx_slab, out, chunks_w):
        base = wid * chunks_w * CH
        pltpu.sync_copy(idx_hbm.at[pl.ds(base, chunks_w * CH)], idx_slab)

        def idxr(j):
            return idx_slab.at[pl.ds(j * CH, CH)]

        def wait_w(buf, wsem):
            pltpu.make_async_copy(buf, out.at[pl.ds(base, CH)], wsem).wait()

        def pair(t, carry):
            a = 2 * t

            @pl.when(t > 0)
            def _():
                wait_w(buf0, w0)
                wait_w(buf1, w1)

            pltpu.async_copy(tab.at[idxr(a)], buf0, sem).wait()
            pltpu.async_copy(buf0, out.at[pl.ds(base + a * CH, CH)], w0)
            pltpu.async_copy(tab.at[idxr(a + 1)], buf1, sem).wait()
            pltpu.async_copy(buf1, out.at[pl.ds(base + (a + 1) * CH, CH)], w1)
            return carry

        lax.fori_loop(0, chunks_w // 2, pair, 0)
        if chunks_w % 2:
            a = chunks_w - 1
            if chunks_w > 1:
                wait_w(buf0, w0)
            pltpu.async_copy(tab.at[idxr(a)], buf0, sem).wait()
            pltpu.async_copy(buf0, out.at[pl.ds(base + a * CH, CH)], w0)
        wait_w(buf0, w0)
        if chunks_w > 1:
            wait_w(buf1, w1)

    run(tab_i, idx_i_hbm, idx_vi, out_i, idx_i_hbm.shape[0] // NW // CH)
    run(tab_u, idx_u_hbm, idx_vu, out_u, idx_u_hbm.shape[0] // NW // CH)


@jax.jit
def _sc_gather(tab_i, tab_u, idx_i, idx_u):
    mesh = plsc.VectorSubcoreMesh(core_axis_name="c", subcore_axis_name="s")
    width = tab_i.shape[1]
    return pl.kernel(
        _sc_gather_body,
        out_type=[
            jax.ShapeDtypeStruct((idx_i.shape[0], width), tab_i.dtype),
            jax.ShapeDtypeStruct((idx_u.shape[0], width), tab_u.dtype),
        ],
        mesh=mesh,
        scratch_types=[
            pltpu.VMEM((idx_i.shape[0] // NW,), jnp.int32),
            pltpu.VMEM((idx_u.shape[0] // NW,), jnp.int32),
            pltpu.VMEM((CH, width), tab_i.dtype),
            pltpu.VMEM((CH, width), tab_i.dtype),
            pltpu.SemaphoreType.DMA,
            pltpu.SemaphoreType.DMA,
            pltpu.SemaphoreType.DMA,
        ],
    )(tab_i, tab_u, idx_i, idx_u)


BLK = 64
RL = BLK * L
RS = BLK * S


def _tc_body(qa_ref, ur_ref, un_ref, pi_ref,
             emb_r8_ref, gvw1a_ref, gvw1b_ref, gvb1_ref, gvw2_ref, gvb2_ref,
             aIw1a_ref, aIw1b_ref, aIb1_ref, aIw2_ref, aIb2_ref, aIw3_ref, aIb3_ref,
             aSw1a_ref, aSw1b_ref, aSb1_ref, aSw2_ref, aSb2_ref, aSw3_ref, aSb3_ref,
             mw1a_ref, mw1b_ref, mb1_ref, mw2_ref, mb2_ref,
             out_ref):
    f32 = jnp.float32
    bf16 = jnp.bfloat16

    def dt(lhs, rhs, lc, rc):
        return lax.dot_general(lhs.astype(bf16), rhs.astype(bf16),
                               (((lc,), (rc,)), ((), ())),
                               preferred_element_type=f32)

    qa = qa_ref[...]
    piB = pi_ref[...]
    urT = ur_ref[...].reshape(1, RL)

    onehotT = (urT == lax.broadcasted_iota(jnp.int32, (8, RL), 0)) \
        .astype(bf16)
    tr8 = jnp.dot(emb_r8_ref[...], gvw1b_ref[...],
                  preferred_element_type=f32)
    hT = jnp.maximum(dt(gvw1a_ref[...], qa, 0, 1)
                     + dt(tr8, onehotT, 0, 0)
                     + gvb1_ref[...], 0.0).astype(bf16)
    xiaT = jnp.maximum(dt(gvw2_ref[...], hT, 0, 0)
                       + gvb2_ref[...], 0.0).astype(bf16)

    def attention(featT_for_mlp, lc_feat, value_dot, segT,
                  w1a_ref, w1b_ref, b1_ref, w2_ref, b2_ref, w3_ref, b3_ref):
        piWT = dt(w1b_ref[...], piB, 0, 1)
        aT = jnp.maximum(dt(w1a_ref[...], featT_for_mlp, 0, lc_feat)
                         + dt(piWT, segT, 1, 0)
                         + b1_ref[...], 0.0).astype(bf16)
        aT = jnp.maximum(dt(w2_ref[...], aT, 0, 0)
                         + b2_ref[...], 0.0).astype(bf16)
        logitT = dt(w3_ref[...], aT, 0, 0) + b3_ref[...]
        e = jnp.exp(logitT - jnp.max(logitT))
        AT = segT * e
        numer = value_dot(AT)
        den = jnp.sum(AT, axis=1, keepdims=True)
        return numer / den

    segTI = _seg_iota(L, RL)
    segTS = _seg_iota(S, RS)
    hi_I = attention(xiaT, 0, lambda AT: dt(AT, xiaT, 1, 1), segTI,
                     aIw1a_ref, aIw1b_ref, aIb1_ref, aIw2_ref, aIb2_ref,
                     aIw3_ref, aIb3_ref)
    un = un_ref[...]
    hi_S = attention(un, 1, lambda AT: dt(AT, un, 1, 0), segTS,
                     aSw1a_ref, aSw1b_ref, aSb1_ref, aSw2_ref, aSb2_ref,
                     aSw3_ref, aSb3_ref)

    h2 = jnp.maximum(dt(hi_I, mw1a_ref[...], 1, 0)
                     + dt(hi_S, mw1b_ref[...], 1, 0)
                     + mb1_ref[...], 0.0)
    out_ref[...] = jnp.maximum(
        dt(h2, mw2_ref[...], 1, 0) + mb2_ref[...], 0.0)[:BLK]


def _seg_iota(n_per_user, n_rows):
    return (lax.broadcasted_iota(jnp.int32, (BLK, n_rows), 1) // n_per_user
            == lax.broadcasted_iota(jnp.int32, (BLK, n_rows), 0)
            ).astype(jnp.float32)


def _tc_compute(qa, ur2, gu, nb, weights, interpret=False):
    n_blocks = nb // BLK
    pi_blk0 = nb * S // BLK
    row_spec = pl.BlockSpec((RL, D), lambda b: (b, 0))
    ur_spec = pl.BlockSpec((1, 1, RL), lambda b: (b, 0, 0))
    un_spec = pl.BlockSpec((RS, D), lambda b: (b, 0))
    pi_spec = pl.BlockSpec((BLK, D), lambda b: (b + pi_blk0, 0))

    def w_spec(w):
        return pl.BlockSpec(w.shape, lambda b: tuple(0 for _ in w.shape))

    return pl.pallas_call(
        _tc_body,
        grid=(n_blocks,),
        in_specs=[row_spec, ur_spec, un_spec, pi_spec] +
                 [w_spec(w) for w in weights],
        out_specs=pl.BlockSpec((BLK, D), lambda b: (b, 0)),
        out_shape=jax.ShapeDtypeStruct((nb, D), jnp.float32),
        compiler_params=pltpu.CompilerParams(
            dimension_semantics=("parallel",)),
        interpret=interpret,
    )(qa, ur2, gu, gu, *weights)


def _prep_weights(embed_r_w, gv_w1, gv_b1, gv_w2, gv_b2,
                  attI_w1, attI_b1, attI_w2, attI_b2, attI_w3, attI_b3,
                  attS_w1, attS_b1, attS_w2, attS_b2, attS_w3, attS_b3,
                  mlp_w1, mlp_b1, mlp_w2, mlp_b2):
    emb_r8 = jnp.zeros((8, D), jnp.float32).at[:NR].set(embed_r_w)
    row = lambda v: v.reshape(1, -1)
    col = lambda v: v.reshape(-1, 1)
    return [
        emb_r8, gv_w1[:D], gv_w1[D:], col(gv_b1), gv_w2, col(gv_b2),
        attI_w1[:D], attI_w1[D:], col(attI_b1), attI_w2, col(attI_b2),
        attI_w3, row(attI_b3),
        attS_w1[:D], attS_w1[D:], col(attS_b1), attS_w2, col(attS_b2),
        attS_w3, row(attS_b3),
        mlp_w1[:D], mlp_w1[D:], row(mlp_b1), mlp_w2, row(mlp_b2),
    ]


def kernel(nodes_u, history_u_lists_batch, social_adj_lists_batch,
           history_ur_lists_batch,
           embed_u_w, embed_i_w, embed_r_w,
           gv_w1, gv_b1, gv_w2, gv_b2,
           attI_w1, attI_b1, attI_w2, attI_b2, attI_w3, attI_b3,
           attS_w1, attS_b1, attS_w2, attS_b2, attS_w3, attS_b3,
           mlp_w1, mlp_b1, mlp_w2, mlp_b2):
    weights = _prep_weights(
        embed_r_w, gv_w1, gv_b1, gv_w2, gv_b2,
        attI_w1, attI_b1, attI_w2, attI_b2, attI_w3, attI_b3,
        attS_w1, attS_b1, attS_w2, attS_b2, attS_w3, attS_b3,
        mlp_w1, mlp_b1, mlp_w2, mlp_b2)

    phases = 4
    bp = B // phases
    grain = NW * CH
    i_pad = -(bp * L) % grain
    u_pad = -(bp * (S + 1)) % grain
    outs = []
    for p in range(phases):
        u0 = p * bp
        hist = lax.dynamic_slice_in_dim(history_u_lists_batch, u0, bp)
        soc = lax.dynamic_slice_in_dim(social_adj_lists_batch, u0, bp)
        nod = lax.dynamic_slice_in_dim(nodes_u, u0, bp)
        urp = lax.dynamic_slice_in_dim(history_ur_lists_batch, u0, bp)
        idx_i = jnp.concatenate([hist.reshape(bp * L),
                                 jnp.arange(i_pad, dtype=jnp.int32)])
        idx_u = jnp.concatenate([soc.reshape(bp * S), nod,
                                 jnp.arange(u_pad, dtype=jnp.int32)])
        qa, gu = _sc_gather(embed_i_w, embed_u_w, idx_i, idx_u)
        ur2 = urp.reshape(bp // BLK, 1, RL)
        outs.append(_tc_compute(qa, ur2, gu, bp, weights))
    return outs[0] if phases == 1 else jnp.concatenate(outs)

# --- scband reference (transcript-rebuilt; emitter-appended) ---
"""Pipeline reference for scband-user-modeling-11304353923458 (READ-ONLY COPY).

The authoritative reference and input builder live on the scoring server;
editing this copy changes nothing except your own understanding.
"""

import jax, jax.numpy as jnp
import numpy as np

B, L, S, D = 1024, 200, 50, 128
NU, NI, NR = 100000, 100000, 6


def setup_inputs(seed: int = 0) -> dict:
    key = jax.random.key(seed)
    ks = jax.random.split(key, 32)
    sc = 0.02
    inp = {}
    inp['nodes_u'] = jax.random.randint(ks[0], (B,), 0, NU, dtype=jnp.int32)
    inp['history_u_lists_batch'] = jax.random.randint(ks[1], (B, L), 0, NI, dtype=jnp.int32)
    inp['social_adj_lists_batch'] = jax.random.randint(ks[2], (B, S), 0, NU, dtype=jnp.int32)
    inp['history_ur_lists_batch'] = jax.random.randint(ks[3], (B, L), 0, NR, dtype=jnp.int32)
    # learned parameters
    inp['embed_u_w'] = jax.random.normal(ks[4], (NU, D), dtype=jnp.float32) * sc
    inp['embed_i_w'] = jax.random.normal(ks[5], (NI, D), dtype=jnp.float32) * sc
    inp['embed_r_w'] = jax.random.normal(ks[6], (NR, D), dtype=jnp.float32) * sc
    # gv MLP: 2D -> D -> D
    inp['gv_w1'] = jax.random.normal(ks[7], (2 * D, D), dtype=jnp.float32) * sc
    inp['gv_b1'] = jnp.zeros((D,), dtype=jnp.float32)
    inp['gv_w2'] = jax.random.normal(ks[8], (D, D), dtype=jnp.float32) * sc
    inp['gv_b2'] = jnp.zeros((D,), dtype=jnp.float32)
    # att_I: input 2D -> D -> D -> 1
    inp['attI_w1'] = jax.random.normal(ks[9], (2 * D, D), dtype=jnp.float32) * sc
    inp['attI_b1'] = jnp.zeros((D,), dtype=jnp.float32)
    inp['attI_w2'] = jax.random.normal(ks[10], (D, D), dtype=jnp.float32) * sc
    inp['attI_b2'] = jnp.zeros((D,), dtype=jnp.float32)
    inp['attI_w3'] = jax.random.normal(ks[11], (D, 1), dtype=jnp.float32) * sc
    inp['attI_b3'] = jnp.zeros((1,), dtype=jnp.float32)
    # att_S: input 2D -> D -> D -> 1
    inp['attS_w1'] = jax.random.normal(ks[12], (2 * D, D), dtype=jnp.float32) * sc
    inp['attS_b1'] = jnp.zeros((D,), dtype=jnp.float32)
    inp['attS_w2'] = jax.random.normal(ks[13], (D, D), dtype=jnp.float32) * sc
    inp['attS_b2'] = jnp.zeros((D,), dtype=jnp.float32)
    inp['attS_w3'] = jax.random.normal(ks[14], (D, 1), dtype=jnp.float32) * sc
    inp['attS_b3'] = jnp.zeros((1,), dtype=jnp.float32)
    # final mlp: 2D -> D -> D
    inp['mlp_w1'] = jax.random.normal(ks[15], (2 * D, D), dtype=jnp.float32) * sc
    inp['mlp_b1'] = jnp.zeros((D,), dtype=jnp.float32)
    inp['mlp_w2'] = jax.random.normal(ks[16], (D, D), dtype=jnp.float32) * sc
    inp['mlp_b2'] = jnp.zeros((D,), dtype=jnp.float32)
    return inp


def reference(nodes_u, history_u_lists_batch, social_adj_lists_batch, history_ur_lists_batch,
              embed_u_w, embed_i_w, embed_r_w,
              gv_w1, gv_b1, gv_w2, gv_b2,
              attI_w1, attI_b1, attI_w2, attI_b2, attI_w3, attI_b3,
              attS_w1, attS_b1, attS_w2, attS_b2, attS_w3, attS_b3,
              mlp_w1, mlp_b1, mlp_w2, mlp_b2):
    # gathers (embedding lookups)
    qa = jnp.take(embed_i_w, history_u_lists_batch, axis=0)   # [B, L, D]
    er = jnp.take(embed_r_w, history_ur_lists_batch, axis=0)  # [B, L, D]
    pi = jnp.take(embed_u_w, nodes_u, axis=0)                 # [B, D]
    # gv MLP (item aspect modeling), eval mode -> dropout is identity
    x = jnp.concatenate([qa, er], axis=-1)                    # [B, L, 2D]
    h = jax.nn.relu(x @ gv_w1 + gv_b1)
    xia = jax.nn.relu(h @ gv_w2 + gv_b2)                      # [B, L, D]
    # item attention (per-user softmax over history, matches softmax(dim=0) per user)
    pi_rep = jnp.broadcast_to(pi[:, None, :], xia.shape)      # [B, L, D]
    cI = jnp.concatenate([xia, pi_rep], axis=-1)              # [B, L, 2D]
    a = jax.nn.relu(cI @ attI_w1 + attI_b1)
    a = jax.nn.relu(a @ attI_w2 + attI_b2)
    a = a @ attI_w3 + attI_b3                                 # [B, L, 1]
    alpha = jax.nn.softmax(a, axis=1)
    hi_I = jnp.sum(alpha * xia, axis=1)                       # [B, D]  (== xia^T @ alpha per user)
    # social attention
    un = jnp.take(embed_u_w, social_adj_lists_batch, axis=0)  # [B, S, D]
    pi_rep_s = jnp.broadcast_to(pi[:, None, :], un.shape)     # [B, S, D]
    cS = jnp.concatenate([un, pi_rep_s], axis=-1)             # [B, S, 2D]
    b = jax.nn.relu(cS @ attS_w1 + attS_b1)
    b = jax.nn.relu(b @ attS_w2 + attS_b2)
    b = b @ attS_w3 + attS_b3                                 # [B, S, 1]
    beta = jax.nn.softmax(b, axis=1)
    hi_S = jnp.sum(beta * un, axis=1)                         # [B, D]
    # fuse
    c1 = jnp.concatenate([hi_I, hi_S], axis=1)                # [B, 2D]
    h2 = jax.nn.relu(c1 @ mlp_w1 + mlp_b1)
    hi = jax.nn.relu(h2 @ mlp_w2 + mlp_b2)                    # [B, D]
    return hi

if __name__ == "__main__":
    import jax
    _d = setup_inputs()
    print(jax.jit(kernel)(*tuple(_d.values())))

</pallas_src>

<mosaic_0001>
#map = affine_map<(d0, d1) -> (0, 0)>
#map1 = affine_map<(d0, d1) -> (0)>
module attributes {stable_mosaic.version = 14 : i64} {
  func.func @_sc_gather_body(%arg0: i32, %arg1: i32, %arg2: memref<100000x128xf32, #tpu.memory_space<hbm>>, %arg3: memref<100000x128xf32, #tpu.memory_space<hbm>>, %arg4: memref<53248xi32, #tpu.memory_space<hbm>>, %arg5: memref<16384xi32, #tpu.memory_space<hbm>>, %arg6: memref<53248x128xf32, #tpu.memory_space<hbm>>, %arg7: memref<16384x128xf32, #tpu.memory_space<hbm>>, %arg8: memref<1664xi32, #tpu.memory_space<vmem>>, %arg9: memref<512xi32, #tpu.memory_space<vmem>>, %arg10: memref<128x128xf32, #tpu.memory_space<vmem>>, %arg11: memref<128x128xf32, #tpu.memory_space<vmem>>, %arg12: memref<!tpu.dma_semaphore, #tpu.memory_space<semaphore_mem>>, %arg13: memref<!tpu.dma_semaphore, #tpu.memory_space<semaphore_mem>>, %arg14: memref<!tpu.dma_semaphore, #tpu.memory_space<semaphore_mem>>) attributes {dimension_semantics = [#tpu.dimension_semantics<core_parallel>, #tpu.dimension_semantics<subcore_parallel>], iteration_bounds = array<i64: 2, 16>, scalar_prefetch = 0 : i64, scratch_operands = 7 : i64, tpu.core_type = #tpu.core_type<sc_vector_subcore>, window_params = [{transform_indices = #map}, {transform_indices = #map}, {transform_indices = #map1}, {transform_indices = #map1}, {transform_indices = #map}, {transform_indices = #map}]} {
    %mul3A = arith.constant 2 : i32
    %mul3A_0 = arith.muli %arg1, %mul3A : i32
    %add3A = arith.addi %mul3A_0, %arg0 : i32
    %mul3A_1 = arith.constant 13 : i32
    %mul3A_2 = arith.muli %add3A, %mul3A_1 : i32
    %mul3A_3 = arith.constant 128 : i32
    %mul3A_4 = arith.muli %mul3A_2, %mul3A_3 : i32
    "tpu.region"() ({
      %run_scoped3A = tpu.sem_alloc : memref<!tpu.dma_semaphore, #tpu.memory_space<semaphore_mem>>
      %dma_start3A_54 = tpu.memref_slice %arg4[%mul3A_4] : memref<53248xi32, #tpu.memory_space<hbm>> -> memref<1664xi32, #tpu.memory_space<hbm>>
      %dma_start3A_55 = tpu.memref_slice %arg4[%mul3A_4] : memref<53248xi32, #tpu.memory_space<hbm>> -> memref<1664xi32, #tpu.memory_space<hbm>>
      tpu.enqueue_dma source(%dma_start3A_55 : memref<1664xi32, #tpu.memory_space<hbm>>) target(%arg8 : memref<1664xi32, #tpu.memory_space<vmem>>) target_semaphore(%run_scoped3A : memref<!tpu.dma_semaphore, #tpu.memory_space<semaphore_mem>>)
      %dma_wait3A_56 = tpu.memref_slice %arg4[%mul3A_4] : memref<53248xi32, #tpu.memory_space<hbm>> -> memref<1664xi32, #tpu.memory_space<hbm>>
      %dma_wait3A_57 = tpu.memref_slice %arg4[%mul3A_4] : memref<53248xi32, #tpu.memory_space<hbm>> -> memref<1664xi32, #tpu.memory_space<hbm>>
      tpu.wait_dma2 semaphore(%run_scoped3A : memref<!tpu.dma_semaphore, #tpu.memory_space<semaphore_mem>>) src(%dma_wait3A_57 : memref<1664xi32, #tpu.memory_space<hbm>>) dst(%arg8 : memref<1664xi32, #tpu.memory_space<vmem>>)
      tpu.yield
    }) : () -> ()
    %scan3A = arith.constant 0 : i32
    %scan3A_5 = arith.constant 0 : i32
    %scan3A_6 = arith.constant 6 : i32
    %scan3A_7 = arith.addi %scan3A_5, %scan3A_6 : i32
    %scan3A_8 = arith.constant 1 : i32
    scf.for %scan3A_54 = %scan3A_5 to %scan3A_7 step %scan3A_8  : i32 {
      %mul3A_55 = arith.constant 2 : i32
      %mul3A_56 = arith.muli %mul3A_55, %scan3A_54 : i32
      %gt3A = arith.constant 0 : i32
      %gt3A_57 = arith.cmpi sgt, %scan3A_54, %gt3A : i32
      %convert_element_type3A = arith.extui %gt3A_57 : i1 to i32
      %cond3A = arith.constant 0 : i32
      %cond3A_58 = arith.cmpi ne, %convert_element_type3A, %cond3A : i32
      scf.if %cond3A_58 {
        %dma_wait3A_97 = arith.constant 0 : i32
        %dma_wait3A_98 = tpu.memref_slice %arg6[%mul3A_4, %dma_wait3A_97] : memref<53248x128xf32, #tpu.memory_space<hbm>> -> memref<128x128xf32, #tpu.memory_space<hbm>>
        %dma_wait3A_99 = arith.constant 0 : i32
        %dma_wait3A_100 = tpu.memref_slice %arg6[%mul3A_4, %dma_wait3A_99] : memref<53248x128xf32, #tpu.memory_space<hbm>> -> memref<128x128xf32, #tpu.memory_space<hbm>>
        tpu.wait_dma2 semaphore(%arg13 : memref<!tpu.dma_semaphore, #tpu.memory_space<semaphore_mem>>) src(%arg10 : memref<128x128xf32, #tpu.memory_space<vmem>>) dst(%dma_wait3A_100 : memref<128x128xf32, #tpu.memory_space<hbm>>)
        %dma_wait3A_101 = arith.constant 0 : i32
        %dma_wait3A_102 = tpu.memref_slice %arg6[%mul3A_4, %dma_wait3A_101] : memref<53248x128xf32, #tpu.memory_space<hbm>> -> memref<128x128xf32, #tpu.memory_space<hbm>>
        %dma_wait3A_103 = arith.constant 0 : i32
        %dma_wait3A_104 = tpu.memref_slice %arg6[%mul3A_4, %dma_wait3A_103] : memref<53248x128xf32, #tpu.memory_space<hbm>> -> memref<128x128xf32, #tpu.memory_space<hbm>>
        tpu.wait_dma2 semaphore(%arg14 : memref<!tpu.dma_semaphore, #tpu.memory_space<semaphore_mem>>) src(%arg11 : memref<128x128xf32, #tpu.memory_space<vmem>>) dst(%dma_wait3A_104 : memref<128x128xf32, #tpu.memory_space<hbm>>)
      } else {
      }
      %mul3A_59 = arith.constant 128 : i32
      %mul3A_60 = arith.muli %mul3A_56, %mul3A_59 : i32
      %dma_start3A_61 = tpu.memref_slice %arg8[%mul3A_60] : memref<1664xi32, #tpu.memory_space<vmem>> -> memref<128xi32, #tpu.memory_space<vmem>>
      %dma_start3A_62 = arith.constant 0 : i32
      %dma_start3A_63 = arith.constant 0 : i32
      %dma_start3A_64 = tpu.memref_slice %arg2[%dma_start3A_62, %dma_start3A_63] : memref<100000x128xf32, #tpu.memory_space<hbm>> -> memref<100000x128xf32, #tpu.memory_space<hbm>>
      tpu.enqueue_indirect_dma source(%dma_start3A_64 : memref<100000x128xf32, #tpu.memory_space<hbm>>) target(%arg10 : memref<128x128xf32, #tpu.memory_space<vmem>>) offsets(%dma_start3A_61 : memref<128xi32, #tpu.memory_space<vmem>>) semaphore(%arg12 : memref<!tpu.dma_semaphore, #tpu.memory_space<semaphore_mem>>)
      %dma_wait3A_65 = tpu.memref_slice %arg8[%mul3A_60] : memref<1664xi32, #tpu.memory_space<vmem>> -> memref<128xi32, #tpu.memory_space<vmem>>
      %dma_wait3A_66 = arith.constant 0 : i32
      %dma_wait3A_67 = arith.constant 0 : i32
      %dma_wait3A_68 = tpu.memref_slice %arg2[%dma_wait3A_66, %dma_wait3A_67] : memref<100000x128xf32, #tpu.memory_space<hbm>> -> memref<100000x128xf32, #tpu.memory_space<hbm>>
      tpu.wait_indirect_dma semaphore(%arg12 : memref<!tpu.dma_semaphore, #tpu.memory_space<semaphore_mem>>) src(%dma_wait3A_68 : memref<100000x128xf32, #tpu.memory_space<hbm>>) dst(%arg10 : memref<128x128xf32, #tpu.memory_space<vmem>>)
      %mul3A_69 = arith.constant 128 : i32
      %mul3A_70 = arith.muli %mul3A_56, %mul3A_69 : i32
      %add3A_71 = arith.addi %mul3A_4, %mul3A_70 : i32
      %dma_start3A_72 = arith.constant 0 : i32
      %dma_start3A_73 = tpu.memref_slice %arg6[%add3A_71, %dma_start3A_72] : memref<53248x128xf32, #tpu.memory_space<hbm>> -> memref<128x128xf32, #tpu.memory_space<hbm>>
      %dma_start3A_74 = arith.constant 0 : i32
      %dma_start3A_75 = tpu.memref_slice %arg6[%add3A_71, %dma_start3A_74] : memref<53248x128xf32, #tpu.memory_space<hbm>> -> memref<128x128xf32, #tpu.memory_space<hbm>>
      tpu.enqueue_dma source(%arg10 : memref<128x128xf32, #tpu.memory_space<vmem>>) target(%dma_start3A_75 : memref<128x128xf32, #tpu.memory_space<hbm>>) target_semaphore(%arg13 : memref<!tpu.dma_semaphore, #tpu.memory_space<semaphore_mem>>)
      %add3A_76 = arith.constant 1 : i32
      %add3A_77 = arith.addi %mul3A_56, %add3A_76 : i32
      %mul3A_78 = arith.constant 128 : i32
      %mul3A_79 = arith.muli %add3A_77, %mul3A_78 : i32
      %dma_start3A_80 = tpu.memref_slice %arg8[%mul3A_79] : memref<1664xi32, #tpu.memory_space<vmem>> -> memref<128xi32, #tpu.memory_space<vmem>>
      %dma_start3A_81 = arith.constant 0 : i32
      %dma_start3A_82 = arith.constant 0 : i32
      %dma_start3A_83 = tpu.memref_slice %arg2[%dma_start3A_81, %dma_start3A_82] : memref<100000x128xf32, #tpu.memory_space<hbm>> -> memref<100000x128xf32, #tpu.memory_space<hbm>>
      tpu.enqueue_indirect_dma source(%dma_start3A_83 : memref<100000x128xf32, #tpu.memory_space<hbm>>) target(%arg11 : memref<128x128xf32, #tpu.memory_space<vmem>>) offsets(%dma_start3A_80 : memref<128xi32, #tpu.memory_space<vmem>>) semaphore(%arg12 : memref<!tpu.dma_semaphore, #tpu.memory_space<semaphore_mem>>)
      %dma_wait3A_84 = tpu.memref_slice %arg8[%mul3A_79] : memref<1664xi32, #tpu.memory_space<vmem>> -> memref<128xi32, #tpu.memory_space<vmem>>
      %dma_wait3A_85 = arith.constant 0 : i32
      %dma_wait3A_86 = arith.constant 0 : i32
      %dma_wait3A_87 = tpu.memref_slice %arg2[%dma_wait3A_85, %dma_wait3A_86] : memref<100000x128xf32, #tpu.memory_space<hbm>> -> memref<100000x128xf32, #tpu.memory_space<hbm>>
      tpu.wait_indirect_dma semaphore(%arg12 : memref<!tpu.dma_semaphore, #tpu.memory_space<semaphore_mem>>) src(%dma_wait3A_87 : memref<100000x128xf32, #tpu.memory_space<hbm>>) dst(%arg11 : memref<128x128xf32, #tpu.memory_space<vmem>>)
      %add3A_88 = arith.constant 1 : i32
      %add3A_89 = arith.addi %mul3A_56, %add3A_88 : i32
      %mul3A_90 = arith.constant 128 : i32
      %mul3A_91 = arith.muli %add3A_89, %mul3A_90 : i32
      %add3A_92 = arith.addi %mul3A_4, %mul3A_91 : i32
      %dma_start3A_93 = arith.constant 0 : i32
      %dma_start3A_94 = tpu.memref_slice %arg6[%add3A_92, %dma_start3A_93] : memref<53248x128xf32, #tpu.memory_space<hbm>> -> memref<128x128xf32, #tpu.memory_space<hbm>>
      %dma_start3A_95 = arith.constant 0 : i32
      %dma_start3A_96 = tpu.memref_slice %arg6[%add3A_92, %dma_start3A_95] : memref<53248x128xf32, #tpu.memory_space<hbm>> -> memref<128x128xf32, #tpu.memory_space<hbm>>
      tpu.enqueue_dma source(%arg11 : memref<128x128xf32, #tpu.memory_space<vmem>>) target(%dma_start3A_96 : memref<128x128xf32, #tpu.memory_space<hbm>>) target_semaphore(%arg14 : memref<!tpu.dma_semaphore, #tpu.memory_space<semaphore_mem>>)
    }
    %scan3A_9 = arith.constant 6 : i32
    %dma_wait3A = arith.constant 0 : i32
    %dma_wait3A_10 = tpu.memref_slice %arg6[%mul3A_4, %dma_wait3A] : memref<53248x128xf32, #tpu.memory_space<hbm>> -> memref<128x128xf32, #tpu.memory_space<hbm>>
    %dma_wait3A_11 = arith.constant 0 : i32
    %dma_wait3A_12 = tpu.memref_slice %arg6[%mul3A_4, %dma_wait3A_11] : memref<53248x128xf32, #tpu.memory_space<hbm>> -> memref<128x128xf32, #tpu.memory_space<hbm>>
    tpu.wait_dma2 semaphore(%arg13 : memref<!tpu.dma_semaphore, #tpu.memory_space<semaphore_mem>>) src(%arg10 : memref<128x128xf32, #tpu.memory_space<vmem>>) dst(%dma_wait3A_12 : memref<128x128xf32, #tpu.memory_space<hbm>>)
    %dma_start3A = arith.constant 1536 : i32
    %dma_start3A_13 = tpu.memref_slice %arg8[%dma_start3A] : memref<1664xi32, #tpu.memory_space<vmem>> -> memref<128xi32, #tpu.memory_space<vmem>>
    %dma_start3A_14 = arith.constant 0 : i32
    %dma_start3A_15 = arith.constant 0 : i32
    %dma_start3A_16 = tpu.memref_slice %arg2[%dma_start3A_14, %dma_start3A_15] : memref<100000x128xf32, #tpu.memory_space<hbm>> -> memref<100000x128xf32, #tpu.memory_space<hbm>>
    tpu.enqueue_indirect_dma source(%dma_start3A_16 : memref<100000x128xf32, #tpu.memory_space<hbm>>) target(%arg10 : memref<128x128xf32, #tpu.memory_space<vmem>>) offsets(%dma_start3A_13 : memref<128xi32, #tpu.memory_space<vmem>>) semaphore(%arg12 : memref<!tpu.dma_semaphore, #tpu.memory_space<semaphore_mem>>)
    %dma_wait3A_17 = arith.constant 1536 : i32
    %dma_wait3A_18 = tpu.memref_slice %arg8[%dma_wait3A_17] : memref<1664xi32, #tpu.memory_space<vmem>> -> memref<128xi32, #tpu.memory_space<vmem>>
    %dma_wait3A_19 = arith.constant 0 : i32
    %dma_wait3A_20 = arith.constant 0 : i32
    %dma_wait3A_21 = tpu.memref_slice %arg2[%dma_wait3A_19, %dma_wait3A_20] : memref<100000x128xf32, #tpu.memory_space<hbm>> -> memref<100000x128xf32, #tpu.memory_space<hbm>>
    tpu.wait_indirect_dma semaphore(%arg12 : memref<!tpu.dma_semaphore, #tpu.memory_space<semaphore_mem>>) src(%dma_wait3A_21 : memref<100000x128xf32, #tpu.memory_space<hbm>>) dst(%arg10 : memref<128x128xf32, #tpu.memory_space<vmem>>)
    %add3A_22 = arith.constant 1536 : i32
    %add3A_23 = arith.addi %mul3A_4, %add3A_22 : i32
    %dma_start3A_24 = arith.constant 0 : i32
    %dma_start3A_25 = tpu.memref_slice %arg6[%add3A_23, %dma_start3A_24] : memref<53248x128xf32, #tpu.memory_space<hbm>> -> memref<128x128xf32, #tpu.memory_space<hbm>>
    %dma_start3A_26 = arith.constant 0 : i32
    %dma_start3A_27 = tpu.memref_slice %arg6[%add3A_23, %dma_start3A_26] : memref<53248x128xf32, #tpu.memory_space<hbm>> -> memref<128x128xf32, #tpu.memory_space<hbm>>
    tpu.enqueue_dma source(%arg10 : memref<128x128xf32, #tpu.memory_space<vmem>>) target(%dma_start3A_27 : memref<128x128xf32, #tpu.memory_space<hbm>>) target_semaphore(%arg13 : memref<!tpu.dma_semaphore, #tpu.memory_space<semaphore_mem>>)
    %dma_wait3A_28 = arith.constant 0 : i32
    %dma_wait3A_29 = tpu.memref_slice %arg6[%mul3A_4, %dma_wait3A_28] : memref<53248x128xf32, #tpu.memory_space<hbm>> -> memref<128x128xf32, #tpu.memory_space<hbm>>
    %dma_wait3A_30 = arith.constant 0 : i32
    %dma_wait3A_31 = tpu.memref_slice %arg6[%mul3A_4, %dma_wait3A_30] : memref<53248x128xf32, #tpu.memory_space<hbm>> -> memref<128x128xf32, #tpu.memory_space<hbm>>
    tpu.wait_dma2 semaphore(%arg13 : memref<!tpu.dma_semaphore, #tpu.memory_space<semaphore_mem>>) src(%arg10 : memref<128x128xf32, #tpu.memory_space<vmem>>) dst(%dma_wait3A_31 : memref<128x128xf32, #tpu.memory_space<hbm>>)
    %dma_wait3A_32 = arith.constant 0 : i32
    %dma_wait3A_33 = tpu.memref_slice %arg6[%mul3A_4, %dma_wait3A_32] : memref<53248x128xf32, #tpu.memory_space<hbm>> -> memref<128x128xf32, #tpu.memory_space<hbm>>
    %dma_wait3A_34 = arith.constant 0 : i32
    %dma_wait3A_35 = tpu.memref_slice %arg6[%mul3A_4, %dma_wait3A_34] : memref<53248x128xf32, #tpu.memory_space<hbm>> -> memref<128x128xf32, #tpu.memory_space<hbm>>
    tpu.wait_dma2 semaphore(%arg14 : memref<!tpu.dma_semaphore, #tpu.memory_space<semaphore_mem>>) src(%arg11 : memref<128x128xf32, #tpu.memory_space<vmem>>) dst(%dma_wait3A_35 : memref<128x128xf32, #tpu.memory_space<hbm>>)
    %mul3A_36 = arith.constant 4 : i32
    %mul3A_37 = arith.muli %add3A, %mul3A_36 : i32
    %mul3A_38 = arith.constant 128 : i32
    %mul3A_39 = arith.muli %mul3A_37, %mul3A_38 : i32
    "tpu.region"() ({
      %run_scoped3A = tpu.sem_alloc : memref<!tpu.dma_semaphore, #tpu.memory_space<semaphore_mem>>
      %dma_start3A_54 = tpu.memref_slice %arg5[%mul3A_39] : memref<16384xi32, #tpu.memory_space<hbm>> -> memref<512xi32, #tpu.memory_space<hbm>>
      %dma_start3A_55 = tpu.memref_slice %arg5[%mul3A_39] : memref<16384xi32, #tpu.memory_space<hbm>> -> memref<512xi32, #tpu.memory_space<hbm>>
      tpu.enqueue_dma source(%dma_start3A_55 : memref<512xi32, #tpu.memory_space<hbm>>) target(%arg9 : memref<512xi32, #tpu.memory_space<vmem>>) target_semaphore(%run_scoped3A : memref<!tpu.dma_semaphore, #tpu.memory_space<semaphore_mem>>)
      %dma_wait3A_56 = tpu.memref_slice %arg5[%mul3A_39] : memref<16384xi32, #tpu.memory_space<hbm>> -> memref<512xi32, #tpu.memory_space<hbm>>
      %dma_wait3A_57 = tpu.memref_slice %arg5[%mul3A_39] : memref<16384xi32, #tpu.memory_space<hbm>> -> memref<512xi32, #tpu.memory_space<hbm>>
      tpu.wait_dma2 semaphore(%run_scoped3A : memref<!tpu.dma_semaphore, #tpu.memory_space<semaphore_mem>>) src(%dma_wait3A_57 : memref<512xi32, #tpu.memory_space<hbm>>) dst(%arg9 : memref<512xi32, #tpu.memory_space<vmem>>)
      tpu.yield
    }) : () -> ()
    %scan3A_40 = arith.constant 0 : i32
    %scan3A_41 = arith.constant 0 : i32
    %scan3A_42 = arith.constant 2 : i32
    %scan3A_43 = arith.addi %scan3A_41, %scan3A_42 : i32
    %scan3A_44 = arith.constant 1 : i32
    scf.for %scan3A_54 = %scan3A_41 to %scan3A_43 step %scan3A_44  : i32 {
      %mul3A_55 = arith.constant 2 : i32
      %mul3A_56 = arith.muli %mul3A_55, %scan3A_54 : i32
      %gt3A = arith.constant 0 : i32
      %gt3A_57 = arith.cmpi sgt, %scan3A_54, %gt3A : i32
      %convert_element_type3A = arith.extui %gt3A_57 : i1 to i32
      %cond3A = arith.constant 0 : i32
      %cond3A_58 = arith.cmpi ne, %convert_element_type3A, %cond3A : i32
      scf.if %cond3A_58 {
        %dma_wait3A_97 = arith.constant 0 : i32
        %dma_wait3A_98 = tpu.memref_slice %arg7[%mul3A_39, %dma_wait3A_97] : memref<16384x128xf32, #tpu.memory_space<hbm>> -> memref<128x128xf32, #tpu.memory_space<hbm>>
        %dma_wait3A_99 = arith.constant 0 : i32
        %dma_wait3A_100 = tpu.memref_slice %arg7[%mul3A_39, %dma_wait3A_99] : memref<16384x128xf32, #tpu.memory_space<hbm>> -> memref<128x128xf32, #tpu.memory_space<hbm>>
        tpu.wait_dma2 semaphore(%arg13 : memref<!tpu.dma_semaphore, #tpu.memory_space<semaphore_mem>>) src(%arg10 : memref<128x128xf32, #tpu.memory_space<vmem>>) dst(%dma_wait3A_100 : memref<128x128xf32, #tpu.memory_space<hbm>>)
        %dma_wait3A_101 = arith.constant 0 : i32
        %dma_wait3A_102 = tpu.memref_slice %arg7[%mul3A_39, %dma_wait3A_101] : memref<16384x128xf32, #tpu.memory_space<hbm>> -> memref<128x128xf32, #tpu.memory_space<hbm>>
        %dma_wait3A_103 = arith.constant 0 : i32
        %dma_wait3A_104 = tpu.memref_slice %arg7[%mul3A_39, %dma_wait3A_103] : memref<16384x128xf32, #tpu.memory_space<hbm>> -> memref<128x128xf32, #tpu.memory_space<hbm>>
        tpu.wait_dma2 semaphore(%arg14 : memref<!tpu.dma_semaphore, #tpu.memory_space<semaphore_mem>>) src(%arg11 : memref<128x128xf32, #tpu.memory_space<vmem>>) dst(%dma_wait3A_104 : memref<128x128xf32, #tpu.memory_space<hbm>>)
      } else {
      }
      %mul3A_59 = arith.constant 128 : i32
      %mul3A_60 = arith.muli %mul3A_56, %mul3A_59 : i32
      %dma_start3A_61 = tpu.memref_slice %arg9[%mul3A_60] : memref<512xi32, #tpu.memory_space<vmem>> -> memref<128xi32, #tpu.memory_space<vmem>>
      %dma_start3A_62 = arith.constant 0 : i32
      %dma_start3A_63 = arith.constant 0 : i32
      %dma_start3A_64 = tpu.memref_slice %arg3[%dma_start3A_62, %dma_start3A_63] : memref<100000x128xf32, #tpu.memory_space<hbm>> -> memref<100000x128xf32, #tpu.memory_space<hbm>>
      tpu.enqueue_indirect_dma source(%dma_start3A_64 : memref<100000x128xf32, #tpu.memory_space<hbm>>) target(%arg10 : memref<128x128xf32, #tpu.memory_space<vmem>>) offsets(%dma_start3A_61 : memref<128xi32, #tpu.memory_space<vmem>>) semaphore(%arg12 : memref<!tpu.dma_semaphore, #tpu.memory_space<semaphore_mem>>)
      %dma_wait3A_65 = tpu.memref_slice %arg9[%mul3A_60] : memref<512xi32, #tpu.memory_space<vmem>> -> memref<128xi32, #tpu.memory_space<vmem>>
      %dma_wait3A_66 = arith.constant 0 : i32
      %dma_wait3A_67 = arith.constant 0 : i32
      %dma_wait3A_68 = tpu.memref_slice %arg3[%dma_wait3A_66, %dma_wait3A_67] : memref<100000x128xf32, #tpu.memory_space<hbm>> -> memref<100000x128xf32, #tpu.memory_space<hbm>>
      tpu.wait_indirect_dma semaphore(%arg12 : memref<!tpu.dma_semaphore, #tpu.memory_space<semaphore_mem>>) src(%dma_wait3A_68 : memref<100000x128xf32, #tpu.memory_space<hbm>>) dst(%arg10 : memref<128x128xf32, #tpu.memory_space<vmem>>)
      %mul3A_69 = arith.constant 128 : i32
      %mul3A_70 = arith.muli %mul3A_56, %mul3A_69 : i32
      %add3A_71 = arith.addi %mul3A_39, %mul3A_70 : i32
      %dma_start3A_72 = arith.constant 0 : i32
      %dma_start3A_73 = tpu.memref_slice %arg7[%add3A_71, %dma_start3A_72] : memref<16384x128xf32, #tpu.memory_space<hbm>> -> memref<128x128xf32, #tpu.memory_space<hbm>>
      %dma_start3A_74 = arith.constant 0 : i32
      %dma_start3A_75 = tpu.memref_slice %arg7[%add3A_71, %dma_start3A_74] : memref<16384x128xf32, #tpu.memory_space<hbm>> -> memref<128x128xf32, #tpu.memory_space<hbm>>
      tpu.enqueue_dma source(%arg10 : memref<128x128xf32, #tpu.memory_space<vmem>>) target(%dma_start3A_75 : memref<128x128xf32, #tpu.memory_space<hbm>>) target_semaphore(%arg13 : memref<!tpu.dma_semaphore, #tpu.memory_space<semaphore_mem>>)
      %add3A_76 = arith.constant 1 : i32
      %add3A_77 = arith.addi %mul3A_56, %add3A_76 : i32
      %mul3A_78 = arith.constant 128 : i32
      %mul3A_79 = arith.muli %add3A_77, %mul3A_78 : i32
      %dma_start3A_80 = tpu.memref_slice %arg9[%mul3A_79] : memref<512xi32, #tpu.memory_space<vmem>> -> memref<128xi32, #tpu.memory_space<vmem>>
      %dma_start3A_81 = arith.constant 0 : i32
      %dma_start3A_82 = arith.constant 0 : i32
      %dma_start3A_83 = tpu.memref_slice %arg3[%dma_start3A_81, %dma_start3A_82] : memref<100000x128xf32, #tpu.memory_space<hbm>> -> memref<100000x128xf32, #tpu.memory_space<hbm>>
      tpu.enqueue_indirect_dma source(%dma_start3A_83 : memref<100000x128xf32, #tpu.memory_space<hbm>>) target(%arg11 : memref<128x128xf32, #tpu.memory_space<vmem>>) offsets(%dma_start3A_80 : memref<128xi32, #tpu.memory_space<vmem>>) semaphore(%arg12 : memref<!tpu.dma_semaphore, #tpu.memory_space<semaphore_mem>>)
      %dma_wait3A_84 = tpu.memref_slice %arg9[%mul3A_79] : memref<512xi32, #tpu.memory_space<vmem>> -> memref<128xi32, #tpu.memory_space<vmem>>
      %dma_wait3A_85 = arith.constant 0 : i32
      %dma_wait3A_86 = arith.constant 0 : i32
      %dma_wait3A_87 = tpu.memref_slice %arg3[%dma_wait3A_85, %dma_wait3A_86] : memref<100000x128xf32, #tpu.memory_space<hbm>> -> memref<100000x128xf32, #tpu.memory_space<hbm>>
      tpu.wait_indirect_dma semaphore(%arg12 : memref<!tpu.dma_semaphore, #tpu.memory_space<semaphore_mem>>) src(%dma_wait3A_87 : memref<100000x128xf32, #tpu.memory_space<hbm>>) dst(%arg11 : memref<128x128xf32, #tpu.memory_space<vmem>>)
      %add3A_88 = arith.constant 1 : i32
      %add3A_89 = arith.addi %mul3A_56, %add3A_88 : i32
      %mul3A_90 = arith.constant 128 : i32
      %mul3A_91 = arith.muli %add3A_89, %mul3A_90 : i32
      %add3A_92 = arith.addi %mul3A_39, %mul3A_91 : i32
      %dma_start3A_93 = arith.constant 0 : i32
      %dma_start3A_94 = tpu.memref_slice %arg7[%add3A_92, %dma_start3A_93] : memref<16384x128xf32, #tpu.memory_space<hbm>> -> memref<128x128xf32, #tpu.memory_space<hbm>>
      %dma_start3A_95 = arith.constant 0 : i32
      %dma_start3A_96 = tpu.memref_slice %arg7[%add3A_92, %dma_start3A_95] : memref<16384x128xf32, #tpu.memory_space<hbm>> -> memref<128x128xf32, #tpu.memory_space<hbm>>
      tpu.enqueue_dma source(%arg11 : memref<128x128xf32, #tpu.memory_space<vmem>>) target(%dma_start3A_96 : memref<128x128xf32, #tpu.memory_space<hbm>>) target_semaphore(%arg14 : memref<!tpu.dma_semaphore, #tpu.memory_space<semaphore_mem>>)
    }
    %scan3A_45 = arith.constant 2 : i32
    %dma_wait3A_46 = arith.constant 0 : i32
    %dma_wait3A_47 = tpu.memref_slice %arg7[%mul3A_39, %dma_wait3A_46] : memref<16384x128xf32, #tpu.memory_space<hbm>> -> memref<128x128xf32, #tpu.memory_space<hbm>>
    %dma_wait3A_48 = arith.constant 0 : i32
    %dma_wait3A_49 = tpu.memref_slice %arg7[%mul3A_39, %dma_wait3A_48] : memref<16384x128xf32, #tpu.memory_space<hbm>> -> memref<128x128xf32, #tpu.memory_space<hbm>>
    tpu.wait_dma2 semaphore(%arg13 : memref<!tpu.dma_semaphore, #tpu.memory_space<semaphore_mem>>) src(%arg10 : memref<128x128xf32, #tpu.memory_space<vmem>>) dst(%dma_wait3A_49 : memref<128x128xf32, #tpu.memory_space<hbm>>)
    %dma_wait3A_50 = arith.constant 0 : i32
    %dma_wait3A_51 = tpu.memref_slice %arg7[%mul3A_39, %dma_wait3A_50] : memref<16384x128xf32, #tpu.memory_space<hbm>> -> memref<128x128xf32, #tpu.memory_space<hbm>>
    %dma_wait3A_52 = arith.constant 0 : i32
    %dma_wait3A_53 = tpu.memref_slice %arg7[%mul3A_39, %dma_wait3A_52] : memref<16384x128xf32, #tpu.memory_space<hbm>> -> memref<128x128xf32, #tpu.memory_space<hbm>>
    tpu.wait_dma2 semaphore(%arg14 : memref<!tpu.dma_semaphore, #tpu.memory_space<semaphore_mem>>) src(%arg11 : memref<128x128xf32, #tpu.memory_space<vmem>>) dst(%dma_wait3A_53 : memref<128x128xf32, #tpu.memory_space<hbm>>)
    return
  }
}

</mosaic_0001>

<sc_bundles>
// kernel: _sc_gather.3.cloned.1.call-start
scs
__scs_entry_jumppad:
0x0: {  	(pc) =	sbr.rel $0x88, $3  }
0x1: {  	(tag) =	ssettag $0x0;
	lr =	simm.s32 $0x1  }
0x2: {  	[smem:$0x3F9D] =	sst lr;
	_ =	strace $0xD0000000  }
0x3: {  	_ = 	snop  }
0x4: {  	_ = 	snop  }
0x5: {  	_ = 	snop  }
0x6: {  	_ = 	snop  }
0x7: {  	_ = 	snop  }
__scs_overlays_trampoline_lowered:
0x8: {  	[smem:$0x3FAC] =	sst s0  }
0x9: {  	[smem:$0x3FAD] =	sst s1  }
0xa: {  	[smem:$0x3FAE] =	sst s2  }
0xb: {  	[smem:$0x3FAF] =	sst s3  }
0xc: {  	[smem:$0x3FB0] =	sst s4  }
0xd: {  	[smem:$0x3FB1] =	sst s5  }
0xe: {  	[smem:$0x3FB2] =	sst s6  }
0xf: {  	[smem:$0x3FB3] =	sst s7  }
0x10: {  	[smem:$0x3FB4] =	sst s8  }
0x11: {  	[smem:$0x3FB5] =	sst s9;
	s0 =	simm.s32 @!p0 $0x0  }
0x12: {  	s1 =	sld [smem:$0x3F9B];
	s0 =	simm.s32 @p0 $0x1  }
0x13: {  	[smem:$0x3FB6] =	sst s0;
	s0 =	simm.s32 @!p1 $0x0  }
0x14: {  	s2 =	sld [smem:$0x3F9A];
	s0 =	simm.s32 @p1 $0x1  }
0x15: {  	[smem:$0x3FB7] =	sst s0;
	s0 =	simm.s32 @!p2 $0x0  }
0x16: {  	s3 =	sld [smem:$0x3FDB];
	s0 =	simm.s32 @p2 $0x1  }
0x17: {  	s4 =	simm.s32 $0x1BF5;
	[smem:$0x3FB9] =	sst s0  }
0x18: {  	s0 =	sld [smem:$0x3F9C];
	_ =	swait.ge [sflag:s4], $0x0  }
0x19: {  	s7 =	sld [smem:$0x3F9D]  }
0x1a: {  	s8 =	sadd.s32 $0xFFFFE003, lr  }
0x1b: {  	s9 =	sadd.s32 $0xFFFFFEF7, lr;
	s5 =	simm.s32 $0xFFFFFFFF;
	p2 =	slt.u32 s8, $0xFFFFF086  }
0x1c: {  	p1 =	slt.u32 s9, $0xF7A;
	s5 =	simm.s32 @!p2 $0x0  }
0x1d: {  	s5 =	simm.s32 @p1 $0x1;
	p0 =	seq.s32 s7, s2  }
0x1e: {  	s7 =	smul.u32 @!p0 $0xF7A, s2;
	p2 =	seq.s32 @!p0 s5, $0x0  }
0x1f: {  	s9 =	smul.u32 $0xF7A, s1;
	s8 =	simm.s32 @!p0 $0x1BF5;
	p2 =	por !p2, p0  }
0x20: {  	[sflag:s8] =	ssyncset.s32 @!p0 $0xFFFFF086;
	s6 =	sadd.s32 @!p0 s3, s7;
	s7 =	simm.s32 @!p0 $0x108  }
0x21: {  	s3 =	sadd.s32 s3, s9;
	s6 =	sadd.s32 @!p0 $0x88, s6;
	s7 =	simm.s32 @p2 $0x1082  }
0x22: {  	[simem:s7], [sflag:s8] =	dma.local @!p0 [hbm:s6], $0xF7A  }
0x23: {  	s9 =	sor.u32 $0xD0000000, s2;
	s6 =	simm.s32 $0x108;
	_ =	swait.ge @!p0 [sflag:s8], $0x0  }
0x24: {  	s3 =	sadd.s32 $0x88, s3;
	s6 =	simm.s32 @!p1 $0x1082;
	[sflag:s4] =	ssyncset.s32 $0xFFFFF086  }
0x25: {  	[simem:s6], [sflag:s4] =	dma.local [hbm:s3], $0xF7A  }
0x26: {  	[smem:$0x3F9D] =	sst s1;
	(tag) =	ssettag s2;
	_ =	strace s9  }
0x27: {  	s1 =	sld [smem:$0x3FAD]  }
0x28: {  	s2 =	sld [smem:$0x3FAE]  }
0x29: {  	s4 =	sld [smem:$0x3FB0]  }
0x2a: {  	p0 =	seq.s32 s5, $0x0;
	s5 =	sld [smem:$0x3FB1]  }
0x2b: {  	s6 =	sld [smem:$0x3FB2]  }
0x2c: {  	s7 =	sld [smem:$0x3FB3]  }
0x2d: {  	s3 =	simm.s32 $0x108;
	s8 =	sld [smem:$0x3FB4]  }
0x2e: {  	s3 =	simm.s32 @!p0 $0x1082;
	s9 =	sld [smem:$0x3FB5]  }
0x2f: {  	lr =	sadd.s32 s0, s3;
	s0 =	sld [smem:$0x3FAC]  }
0x30: {  	s3 =	sld [smem:$0x3FAF]  }
0x31: {  	[smem:$0x3FB8] =	sst s10  }
0x32: {  	s10 =	sld [smem:$0x3FB6];
	_ =	sdelay $0x3  }
0x33: {  	p0 =	seq.s32 s10, $0x1;
	s10 =	sld [smem:$0x3FB8];
	_ =	sdelay $0x3  }
0x34: {  	[smem:$0x3FB8] =	sst s10  }
0x35: {  	s10 =	sld [smem:$0x3FB7];
	_ =	sdelay $0x3  }
0x36: {  	p1 =	seq.s32 s10, $0x1;
	s10 =	sld [smem:$0x3FB8];
	_ =	sdelay $0x3  }
0x37: {  	[smem:$0x3FB8] =	sst s10  }
0x38: {  	s10 =	sld [smem:$0x3FB9]  }
0x39: {  	_ = 	snop;
	(pc) =	sbr.ind lr, $3  }
0x3a: {  	_ = 	snop  }
0x3b: {  	_ = 	snop  }
0x3c: {  	p2 =	seq.s32 s10, $0x1;
	s10 =	sld [smem:$0x3FB8]  }
0x3d: {  	_ =	shalt  }
0x3e: {  	_ =	shalt  }
0x3f: {  	_ =	shalt  }
0x40: {  	_ =	shalt  }
0x41: {  	_ =	shalt  }
0x42: {  	_ =	shalt  }
0x43: {  	_ =	shalt  }
0x44: {  	_ =	shalt  }
0x45: {  	_ =	shalt  }
0x46: {  	_ =	shalt  }
0x47: {  	_ =	shalt  }
0x48: {  	_ =	shalt  }
0x49: {  	_ =	shalt  }
0x4a: {  	_ =	shalt  }
0x4b: {  	_ =	shalt  }
0x4c: {  	_ =	shalt  }
0x4d: {  	_ =	shalt  }
0x4e: {  	_ =	shalt  }
0x4f: {  	_ =	shalt  }
0x50: {  	_ =	shalt  }
0x51: {  	_ =	shalt  }
0x52: {  	_ =	shalt  }
0x53: {  	_ =	shalt  }
0x54: {  	_ =	shalt  }
0x55: {  	_ =	shalt  }
0x56: {  	_ =	shalt  }
0x57: {  	_ =	shalt  }
0x58: {  	_ =	shalt  }
0x59: {  	_ =	shalt  }
0x5a: {  	_ =	shalt  }
0x5b: {  	_ =	shalt  }
0x5c: {  	_ =	shalt  }
0x5d: {  	_ =	shalt  }
0x5e: {  	_ =	shalt  }
0x5f: {  	_ =	shalt  }
0x60: {  	_ =	shalt  }
0x61: {  	_ =	shalt  }
0x62: {  	_ =	shalt  }
0x63: {  	_ =	shalt  }
0x64: {  	_ =	shalt  }
0x65: {  	_ =	shalt  }
0x66: {  	_ =	shalt  }
0x67: {  	_ =	shalt  }
0x68: {  	_ =	shalt  }
0x69: {  	_ =	shalt  }
0x6a: {  	_ =	shalt  }
0x6b: {  	_ =	shalt  }
0x6c: {  	_ =	shalt  }
0x6d: {  	_ =	shalt  }
0x6e: {  	_ =	shalt  }
0x6f: {  	_ =	shalt  }
0x70: {  	_ =	shalt  }
0x71: {  	_ =	shalt  }
0x72: {  	_ =	shalt  }
0x73: {  	_ =	shalt  }
0x74: {  	_ =	shalt  }
0x75: {  	_ =	shalt  }
0x76: {  	_ =	shalt  }
0x77: {  	_ =	shalt  }
0x78: {  	_ =	shalt  }
0x79: {  	_ =	shalt  }
0x7a: {  	_ =	shalt  }
0x7b: {  	_ =	shalt  }
0x7c: {  	_ =	shalt  }
0x7d: {  	_ =	shalt  }
0x7e: {  	_ =	shalt  }
0x7f: {  	_ =	shalt  }
0x80: {  	_ =	shalt  }
0x81: {  	_ =	shalt  }
0x82: {  	_ =	shalt  }
0x83: {  	_ =	shalt  }
0x84: {  	_ =	shalt  }
0x85: {  	_ =	shalt  }
0x86: {  	_ =	shalt  }
0x87: {  	_ =	shalt  }
.Lfunc_end0:
.L_simem_size_0:
called_computation_lowered:
.L_overlay_start_0:
0x88: {  	s2 =	sld [smem:$0x3FD9]  }
0x89: {  	s3 =	sld [smem:$0x3FFE];
	_ =	sdelay $0x1  }
0x8a: {  	s1 =	srdreg.scid  }
0x8b: {  	s0 =	sand.u32 $0x1, s1  }
0x8c: {  	s15 =	sshll.u32 s0, $0xA;
	s2 =	sadd.s32 s3, s2  }
0x8d: {  	s2 =	sadd.s32 s2, s15  }
0x8e: {  	[smem:$0x3FC4] =	sst s2  }
0x8f: {  	_ = 	snop  }
0x90: {  	s2 =	sld [smem:$0x3FC9]  }
0x91: {  	s16 =	sld [smem:$0x3FD0]  }
0x92: {  	s4 =	sld [smem:$0x3FC8]  }
0x93: {  	s5 =	sld [smem:$0x3FC7]  }
0x94: {  	s7 =	simm.s32 $0xA;
	s8 =	simm.s32 $0x10;
	s6 =	sld [smem:$0x3FC6]  }
0x95: {  	[smem:s8], [sflag:s7] =	dma.local [hbm:s16], $0x1  }
0x96: {  	_ =	swait.eq [sflag:s7], $0x1  }
0x97: {  	[sflag:s7] =	ssyncset.done $0x0  }
0x98: {  	s17 =	sld [smem:$0x10];
	[sflag:s7] =	ssyncadd.s32 $0xFFFFFFFF  }
0x99: {  	s18 =	sld [smem:$0x11];
	(tm) =	ssettm $0x1  }
0x9a: {  	s19 =	sld [smem:$0x3FFB];
	_ =	sdelay $0x3  }
0x9b: {  	_ =	strace s19  }
0x9c: {  	s8 =	sld [smem:$0x3FFC];
	_ =	sdelay $0x3  }
0x9d: {  	_ =	strace s8  }
0x9e: {  	s8 =	sld [smem:$0x3FFD];
	_ =	sdelay $0x3  }
0x9f: {  	_ =	strace s8  }
0xa0: {  	_ =	strace $0x8FFFFFFF  }
0xa1: {  	s20 =	sld [smem:$0x3FDB];
	_ =	sdelay $0x1  }
0xa2: {  	s9 =	simm.s32 $_scs_section_size  }
0xa3: {  	s10 =	simm.s32 $_size__tile_overlayer_lowered;
	s11 =	simm.s32 $_tile_overlayer_lowered  }
0xa4: {  	s23 =	simm.s32 $0x1BFF;
	s22 =	sshll.u32 s11, $0x1;
	s8 =	sadd.s32 s9, s20  }
0xa5: {  	s12 =	simm.s32 $0x0;
	s21 =	sshll.u32 s10, $0x1;
	s10 =	sadd.s32 s22, s8  }
0xa6: {  	[timem:s12], [sflag:s23] =	dma.local [hbm:s10], s21  }
0xa7: {  	_ =	swait.ge [sflag:s23], s21  }
0xa8: {  	s9 =	ssub.s32 $0x0, s21;
	[sflag:s23] =	ssyncset.done $0x0  }
0xa9: {  	[sflag:s23] =	ssyncadd.s32 s9;
	_ =	sdelay $0x1  }
0xaa: {  	s24 =	simm.s32 $0x1B8B  }
0xab: {  	_ =	swait.ge [sflag:s24], $0x1  }
0xac: {  	[sflag:s24] =	ssyncset.done $0x0  }
0xad: {  	s25 =	simm.s32 $0x1B8E;
	[sflag:s24] =	ssyncadd.s32 $0xFFFFFFFF  }
0xae: {  	s26 =	simm.s32 $execute0_lowered;
	[smem:$0x3FD2] =	sst s25  }
0xaf: {  	s9 =	sshll.u32 s26, $0x1;
	_ =	strace $0x80000046;
	[dreg:$0x1] =	wrdreg $0xFFFFFFFF  }
0xb0: {  	s28 =	simm.s32 $_size_execute0_lowered;
	s8 =	sadd.s32 s8, s9;
	[dreg:$0x0] =	wrdreg $0x0  }
0xb1: {  	s9 =	sshll.u32 s28, $0x1;
	[dreg:$0x2] =	wrdreg s8  }
0xb2: {  	[dreg:$0x3] =	wrdreg s9  }
0xb3: {  	[dreg:$0x4] =	wrdreg $0xC0  }
0xb4: {  	_ =	task [dreg:s12], $0x5FFFF  }
0xb5: {  	[dreg:$0x1] =	wrdreg $0xFFFFFFFF  }
0xb6: {  	[dreg:$0x0] =	wrdreg $0x60  }
0xb7: {  	[dreg:$0x2] =	wrdreg s2  }
0xb8: {  	[dreg:$0x3] =	wrdreg s4  }
0xb9: {  	[dreg:$0x4] =	wrdreg s5  }
0xba: {  	[dreg:$0x5] =	wrdreg s6  }
0xbb: {  	[dreg:$0x6] =	wrdreg s17  }
0xbc: {  	[dreg:$0x7] =	wrdreg s18  }
0xbd: {  	[dreg:$0x8] =	wrdreg $0x9  }
0xbe: {  	_ =	task.clear_ibuf [dreg:s12], $0x9FFFF;
	_ =	strace $0x90000046  }
0xbf: {  	s29 =	simm.s32 $0x9;
	_ =	strace $0x80000048  }
0xc0: {  	_ =	swait.ge [sflag:s29], $0x1  }
0xc1: {  	[sflag:s29] =	ssyncadd.s32 $0xFFFFFFFF  }
0xc2: {  	_ =	strace $0x90000048  }
0xc3: {  	_ =	sfence  }
0xc4: {  	s30 =	sld [smem:$0x0];
	_ =	sdelay $0x2  }
0xc5: {  	s31 =	sshll.u32 s1, $0xD;
	s1 =	sshrl.u32 s1, $0x2  }
0xc6: {  	s3 =	sand.u32 $0x4000, s31;
	s1 =	sadd.s32 s1, s30  }
0xc7: {  	s0 =	sor.u32 s3, s0;
	s1 =	sshll.u32 s1, $0x11  }
0xc8: {  	s0 =	sor.u32 s1, s0  }
0xc9: {  	s0 =	sadd.s32 $0x8F2B, s0  }
0xca: {  	[sflag:s0] =	ssyncadd.remote.s32 $0x1  }
0xcb: {  	_ =	sfence.sel $0xFFFF  }
0xcc: {  	[dreg:$0x0] =	wrdreg $0xFFFFFFFF;
	(pc) =	sbr.abs _section_cstart, $3  }
0xcd: {  	[dreg:$0x1] =	wrdreg $0xFFFFFFFF  }
0xce: {  	_ =	task.clear_ibuf [dreg:s12], $0x2FFFF;
	_ =	strace $0x9FFFFFFF  }
0xcf: {  	(tm) =	ssettm $0x7FFFFFFF  }
tec
execute0_lowered:
.L_overlay_start_1:
0x0: {  	(tag) =	ssettag $0x1  }
0x1: {  	s4 =	rddreg [dreg:$0x0]  }
0x2: {  	s2 =	rddreg [dreg:$0x1]  }
0x3: {  	s0 =	rddreg [dreg:$0x2]  }
0x4: {  	s3 =	srdreg.scid;
	s7 =	stileid.u32  }
0x5: {  	s1 =	rddreg [dreg:$0x3];
	s6 =	sand.u32 $0x1, s3;
	s23 =	sshll.u32 s7, $0x1  }
0x6: {  	s5 =	rddreg [dreg:$0x4];
	s31 =	simm.s32 $0x100;
	s8 =	sor.u32 s6, s23  }
0x7: {  	s30 =	simm.s32 $0x180;
	s29 =	simm.s32 $0x200;
	s9 =	smul.u32 $0x34000, s8  }
0x8: {  	s7 =	rddreg [dreg:$0x5];
	s3 =	simm.s32 $0x0;
	s10 =	smul.u32 $0xD0, s8  }
0x9: {  	s28 =	simm.s32 $0x280;
	p0 =	por $0x0, $0x0;
	[smem:$0x7FF] =	sst s3  }
0xa: {  	_ =	strace $0x80000047;
	s9 =	sshrl.u32 s9, $0x3;
	s0 =	sadd.s32 s0, s10  }
0xb: {  	s24 =	smul.u32 $0x6800, s8;
	s9 =	sadd.s32 s5, s9;
	[dreg:$0x7] =	wrdreg s0  }
0xc: {  	s26 =	sshll.u32 s8, $0x6;
	s25 =	sadd.s32 $0x6000, s9;
	s0 =	rddreg [dreg:$0x7]  }
0xd: {  	s9 =	sadd.s32 s1, s26;
	s26 =	sadd.s32 s5, s24;
	[dreg:$0x8] =	wrdreg s25  }
0xe: {  	s18 =	ssub.s32 $0x2, s6;
	[dreg:$0x9] =	wrdreg s9;
	s11 =	sadd.s32 $0x800, s26  }
0xf: {  	s6 =	simm.s32 $0x3;
	s12 =	sadd.s32 $0x1000, s26;
	[dreg:$0xa] =	wrdreg s11  }
0x10: {  	s20 =	sshrl.u32 s18, $0x1;
	s13 =	sadd.s32 $0x1800, s26;
	[dreg:$0xb] =	wrdreg s12  }
0x11: {  	s22 =	sshll.u32 s8, $0xD;
	s14 =	sadd.s32 $0x2000, s26;
	[dreg:$0xc] =	wrdreg s13  }
0x12: {  	s10 =	simm.s32 $0x4880;
	s15 =	sadd.s32 $0x2800, s26;
	[dreg:$0xd] =	wrdreg s14  }
0x13: {  	s1 =	ssub.s32 s18, s20;
	s16 =	sadd.s32 $0x3000, s26;
	[dreg:$0xe] =	wrdreg s15  }
0x14: {  	s20 =	simm.s32 $0x580;
	s17 =	sadd.s32 $0x3800, s26;
	[dreg:$0xf] =	wrdreg s16  }
0x15: {  	s18 =	simm.s32 $0x680;
	s19 =	sadd.s32 $0x4000, s26;
	[dreg:$0x10] =	wrdreg s17  }
0x16: {  	s21 =	sadd.s32 $0x4800, s26;
	s23 =	sadd.s32 $0x5000, s26;
	[dreg:$0x11] =	wrdreg s19  }
0x17: {  	s24 =	sadd.s32 $0x5800, s26;
	s1 =	smax.u32 s1, $0x1;
	[dreg:$0x12] =	wrdreg s21  }
0x18: {  	s9 =	simm.s32 $0x1;
	[dreg:$0x13] =	wrdreg s23;
	s13 =	sadd.s32 s7, s22  }
0x19: {  	[dreg:$0x14] =	wrdreg s24;
	s14 =	simm.s32 $0x4;
	s11 =	simm.s32 $0x80  }
0x1a: {  	s12 =	simm.s32 $0x880;
	s7 =	simm.s32 $0x2;
	p1 =	sne.s32 s1, $0x1  }
.Ltmp0:
0x1b: {  	s24 =	simm.s32 $0x380;
	s23 =	simm.s32 $0x400;
	(pc) =	sbr.rel @!p1 .LBB2_3-.Ltmp0, $4  }
0x1c: {  	s22 =	simm.s32 $0x480;
	s21 =	simm.s32 $0x500;
	s1 =	sadd.s32 $0xFFFFFFFF, s1  }
0x1d: {  	s19 =	simm.s32 $0x600;
	s17 =	simm.s32 $0x700;
	s16 =	simm.s32 $0x780  }
0x1e: {  	s15 =	simm.s32 $0x800;
	s25 =	sadd.s32 $0x800, s13;
	s8 =	sadd.s32 $0x1000, s13  }
0x1f: {  	s5 =	sadd.s32 $0x1800, s13;
	[dreg:$0x15] =	wrdreg s25;
	s25 =	simm.s32 $0x300  }
0x20: {  	[tilespmem:s3], [sflag:$0x4] =	stream.linear.gather [hbm4b:s0+s3], $0x680, $0x38;
	[tilespmem:$0x8880] =	vst v63  }
0x21: {  	_ =	swait.ge [sflag:s14], $0x680  }
0x22: {  	[sflag:s14] =	ssyncset.done $0x0  }
0x23: {  	[sflag:s14] =	ssyncadd.s32 $0xFFFFF980  }
0x24: {  	[tilespmem:s12], [sflag:$0x1] =	stream.indirect.gather [hbm4b:s4+s11], $0x80, s3, s11, $0xb8;
	[tilespmem:$0x8880] =	vst v63  }
0x25: {  	_ =	swait.ge [sflag:s9], $0x4000  }
0x26: {  	[sflag:s9] =	ssyncset.done $0x0  }
0x27: {  	[sflag:s9] =	ssyncadd.s32 $0xFFFFC000  }
0x28: {  	[hbm4b:s26+s3] =	stream.linear.scatter [tilespmem:s12], [sflag:$0x2], $0x4000, $0x38;
	[tilespmem:$0x8880] =	vst v63  }
0x29: {  	_ = 	snop  }
0x2a: {  	[tilespmem:s10], [sflag:$0x1] =	stream.indirect.gather [hbm4b:s4+s11], $0x80, s11, s11, $0xb8;
	[tilespmem:$0x8880] =	vst v63  }
0x2b: {  	_ =	swait.ge [sflag:s9], $0x4000  }
0x2c: {  	[sflag:s9] =	ssyncset.done $0x0  }
0x2d: {  	s0 =	rddreg [dreg:$0xa];
	[sflag:s9] =	ssyncadd.s32 $0xFFFFC000  }
0x2e: {  	[hbm4b:s0+s3] =	stream.linear.scatter [tilespmem:s10], [sflag:$0x3], $0x4000, $0x38;
	[tilespmem:$0x8880] =	vst v63  }
0x2f: {  	_ =	swait.ge [sflag:s7], $0x4000  }
0x30: {  	[sflag:s7] =	ssyncset.done $0x0  }
0x31: {  	[sflag:s7] =	ssyncadd.s32 $0xFFFFC000  }
0x32: {  	_ =	swait.ge [sflag:s6], $0x4000  }
0x33: {  	[sflag:s6] =	ssyncset.done $0x0  }
0x34: {  	[sflag:s6] =	ssyncadd.s32 $0xFFFFC000  }
0x35: {  	[tilespmem:s12], [sflag:$0x1] =	stream.indirect.gather [hbm4b:s4+s11], $0x80, s31, s11, $0xb8;
	[tilespmem:$0x8880] =	vst v63  }
0x36: {  	_ =	swait.ge [sflag:s9], $0x4000  }
0x37: {  	[sflag:s9] =	ssyncset.done $0x0  }
0x38: {  	s0 =	rddreg [dreg:$0xb];
	[sflag:s9] =	ssyncadd.s32 $0xFFFFC000  }
0x39: {  	[hbm4b:s0+s3] =	stream.linear.scatter [tilespmem:s12], [sflag:$0x2], $0x4000, $0x38;
	[tilespmem:$0x8880] =	vst v63  }
0x3a: {  	_ = 	snop  }
0x3b: {  	[tilespmem:s10], [sflag:$0x1] =	stream.indirect.gather [hbm4b:s4+s11], $0x80, s30, s11, $0xb8;
	[tilespmem:$0x8880] =	vst v63  }
0x3c: {  	_ =	swait.ge [sflag:s9], $0x4000  }
0x3d: {  	[sflag:s9] =	ssyncset.done $0x0  }
0x3e: {  	s0 =	rddreg [dreg:$0xc];
	[sflag:s9] =	ssyncadd.s32 $0xFFFFC000  }
0x3f: {  	[hbm4b:s0+s3] =	stream.linear.scatter [tilespmem:s10], [sflag:$0x3], $0x4000, $0x38;
	[tilespmem:$0x8880] =	vst v63  }
0x40: {  	_ =	swait.ge [sflag:s7], $0x4000  }
0x41: {  	[sflag:s7] =	ssyncset.done $0x0  }
0x42: {  	[sflag:s7] =	ssyncadd.s32 $0xFFFFC000  }
0x43: {  	_ =	swait.ge [sflag:s6], $0x4000  }
0x44: {  	[sflag:s6] =	ssyncset.done $0x0  }
0x45: {  	[sflag:s6] =	ssyncadd.s32 $0xFFFFC000  }
0x46: {  	[tilespmem:s12], [sflag:$0x1] =	stream.indirect.gather [hbm4b:s4+s11], $0x80, s29, s11, $0xb8;
	[tilespmem:$0x8880] =	vst v63  }
0x47: {  	_ =	swait.ge [sflag:s9], $0x4000  }
0x48: {  	[sflag:s9] =	ssyncset.done $0x0  }
0x49: {  	s0 =	rddreg [dreg:$0xd];
	[sflag:s9] =	ssyncadd.s32 $0xFFFFC000  }
0x4a: {  	[hbm4b:s0+s3] =	stream.linear.scatter [tilespmem:s12], [sflag:$0x2], $0x4000, $0x38;
	[tilespmem:$0x8880] =	vst v63  }
0x4b: {  	_ = 	snop  }
0x4c: {  	[tilespmem:s10], [sflag:$0x1] =	stream.indirect.gather [hbm4b:s4+s11], $0x80, s28, s11, $0xb8;
	[tilespmem:$0x8880] =	vst v63  }
0x4d: {  	_ =	swait.ge [sflag:s9], $0x4000  }
0x4e: {  	[sflag:s9] =	ssyncset.done $0x0  }
0x4f: {  	s0 =	rddreg [dreg:$0xe];
	[sflag:s9] =	ssyncadd.s32 $0xFFFFC000  }
0x50: {  	[hbm4b:s0+s3] =	stream.linear.scatter [tilespmem:s10], [sflag:$0x3], $0x4000, $0x38;
	[tilespmem:$0x8880] =	vst v63  }
0x51: {  	_ =	swait.ge [sflag:s7], $0x4000  }
0x52: {  	[sflag:s7] =	ssyncset.done $0x0  }
0x53: {  	[sflag:s7] =	ssyncadd.s32 $0xFFFFC000  }
0x54: {  	_ =	swait.ge [sflag:s6], $0x4000  }
0x55: {  	[sflag:s6] =	ssyncset.done $0x0  }
0x56: {  	[sflag:s6] =	ssyncadd.s32 $0xFFFFC000  }
0x57: {  	[tilespmem:s12], [sflag:$0x1] =	stream.indirect.gather [hbm4b:s4+s11], $0x80, s25, s11, $0xb8;
	[tilespmem:$0x8880] =	vst v63  }
0x58: {  	_ =	swait.ge [sflag:s9], $0x4000  }
0x59: {  	[sflag:s9] =	ssyncset.done $0x0  }
0x5a: {  	s0 =	rddreg [dreg:$0xf];
	[sflag:s9] =	ssyncadd.s32 $0xFFFFC000  }
0x5b: {  	[hbm4b:s0+s3] =	stream.linear.scatter [tilespmem:s12], [sflag:$0x2], $0x4000, $0x38;
	[tilespmem:$0x8880] =	vst v63  }
0x5c: {  	_ = 	snop  }
0x5d: {  	[tilespmem:s10], [sflag:$0x1] =	stream.indirect.gather [hbm4b:s4+s11], $0x80, s24, s11, $0xb8;
	[tilespmem:$0x8880] =	vst v63  }
0x5e: {  	_ =	swait.ge [sflag:s9], $0x4000  }
0x5f: {  	[sflag:s9] =	ssyncset.done $0x0  }
0x60: {  	s0 =	rddreg [dreg:$0x10];
	[sflag:s9] =	ssyncadd.s32 $0xFFFFC000  }
0x61: {  	[hbm4b:s0+s3] =	stream.linear.scatter [tilespmem:s10], [sflag:$0x3], $0x4000, $0x38;
	[tilespmem:$0x8880] =	vst v63  }
0x62: {  	_ =	swait.ge [sflag:s7], $0x4000  }
0x63: {  	[sflag:s7] =	ssyncset.done $0x0  }
0x64: {  	[sflag:s7] =	ssyncadd.s32 $0xFFFFC000  }
0x65: {  	_ =	swait.ge [sflag:s6], $0x4000  }
0x66: {  	[sflag:s6] =	ssyncset.done $0x0  }
0x67: {  	[sflag:s6] =	ssyncadd.s32 $0xFFFFC000  }
0x68: {  	[tilespmem:s12], [sflag:$0x1] =	stream.indirect.gather [hbm4b:s4+s11], $0x80, s23, s11, $0xb8;
	[tilespmem:$0x8880] =	vst v63  }
0x69: {  	_ =	swait.ge [sflag:s9], $0x4000  }
0x6a: {  	[sflag:s9] =	ssyncset.done $0x0  }
0x6b: {  	s0 =	rddreg [dreg:$0x11];
	[sflag:s9] =	ssyncadd.s32 $0xFFFFC000  }
0x6c: {  	[hbm4b:s0+s3] =	stream.linear.scatter [tilespmem:s12], [sflag:$0x2], $0x4000, $0x38;
	[tilespmem:$0x8880] =	vst v63  }
0x6d: {  	_ = 	snop  }
0x6e: {  	[tilespmem:s10], [sflag:$0x1] =	stream.indirect.gather [hbm4b:s4+s11], $0x80, s22, s11, $0xb8;
	[tilespmem:$0x8880] =	vst v63  }
0x6f: {  	_ =	swait.ge [sflag:s9], $0x4000  }
0x70: {  	[sflag:s9] =	ssyncset.done $0x0  }
0x71: {  	s0 =	rddreg [dreg:$0x12];
	[sflag:s9] =	ssyncadd.s32 $0xFFFFC000  }
0x72: {  	[hbm4b:s0+s3] =	stream.linear.scatter [tilespmem:s10], [sflag:$0x3], $0x4000, $0x38;
	[tilespmem:$0x8880] =	vst v63  }
0x73: {  	_ =	swait.ge [sflag:s7], $0x4000  }
0x74: {  	[sflag:s7] =	ssyncset.done $0x0  }
0x75: {  	[sflag:s7] =	ssyncadd.s32 $0xFFFFC000  }
0x76: {  	_ =	swait.ge [sflag:s6], $0x4000  }
0x77: {  	[sflag:s6] =	ssyncset.done $0x0  }
0x78: {  	[sflag:s6] =	ssyncadd.s32 $0xFFFFC000  }
0x79: {  	[tilespmem:s12], [sflag:$0x1] =	stream.indirect.gather [hbm4b:s4+s11], $0x80, s21, s11, $0xb8;
	[tilespmem:$0x8880] =	vst v63  }
0x7a: {  	_ =	swait.ge [sflag:s9], $0x4000  }
0x7b: {  	[sflag:s9] =	ssyncset.done $0x0  }
0x7c: {  	s0 =	rddreg [dreg:$0x13];
	[sflag:s9] =	ssyncadd.s32 $0xFFFFC000  }
0x7d: {  	[hbm4b:s0+s3] =	stream.linear.scatter [tilespmem:s12], [sflag:$0x2], $0x4000, $0x38;
	[tilespmem:$0x8880] =	vst v63  }
0x7e: {  	_ = 	snop  }
0x7f: {  	[tilespmem:s10], [sflag:$0x1] =	stream.indirect.gather [hbm4b:s4+s11], $0x80, s20, s11, $0xb8;
	[tilespmem:$0x8880] =	vst v63  }
0x80: {  	_ =	swait.ge [sflag:s9], $0x4000  }
0x81: {  	[sflag:s9] =	ssyncset.done $0x0  }
0x82: {  	s0 =	rddreg [dreg:$0x14];
	[sflag:s9] =	ssyncadd.s32 $0xFFFFC000  }
0x83: {  	[hbm4b:s0+s3] =	stream.linear.scatter [tilespmem:s10], [sflag:$0x3], $0x4000, $0x38;
	[tilespmem:$0x8880] =	vst v63  }
0x84: {  	_ =	swait.ge [sflag:s7], $0x4000  }
0x85: {  	[sflag:s7] =	ssyncset.done $0x0  }
0x86: {  	[sflag:s7] =	ssyncadd.s32 $0xFFFFC000  }
0x87: {  	[tilespmem:s12], [sflag:$0x1] =	stream.indirect.gather [hbm4b:s4+s11], $0x80, s19, s11, $0xb8;
	[tilespmem:$0x8880] =	vst v63  }
0x88: {  	_ =	swait.ge [sflag:s9], $0x4000  }
0x89: {  	[sflag:s9] =	ssyncset.done $0x0  }
0x8a: {  	s0 =	rddreg [dreg:$0x8];
	[sflag:s9] =	ssyncadd.s32 $0xFFFFC000  }
0x8b: {  	[hbm4b:s0+s3] =	stream.linear.scatter [tilespmem:s12], [sflag:$0x2], $0x4000, $0x38;
	[tilespmem:$0x8880] =	vst v63  }
0x8c: {  	_ =	swait.ge [sflag:s7], $0x4000  }
0x8d: {  	[sflag:s7] =	ssyncset.done $0x0  }
0x8e: {  	[sflag:s7] =	ssyncadd.s32 $0xFFFFC000  }
0x8f: {  	_ =	swait.ge [sflag:s6], $0x4000  }
0x90: {  	[sflag:s6] =	ssyncset.done $0x0  }
0x91: {  	s0 =	rddreg [dreg:$0x9];
	[sflag:s6] =	ssyncadd.s32 $0xFFFFC000  }
0x92: {  	[tilespmem:s18], [sflag:$0x4] =	stream.linear.gather [hbm4b:s0+s3], $0x200, $0x38;
	[tilespmem:$0x8880] =	vst v63  }
0x93: {  	_ =	swait.ge [sflag:s14], $0x200  }
0x94: {  	[sflag:s14] =	ssyncset.done $0x0  }
0x95: {  	[sflag:s14] =	ssyncadd.s32 $0xFFFFFE00  }
0x96: {  	[tilespmem:s12], [sflag:$0x1] =	stream.indirect.gather [hbm4b:s2+s11], $0x80, s18, s11, $0xb8;
	[tilespmem:$0x8880] =	vst v63  }
0x97: {  	_ =	swait.ge [sflag:s9], $0x4000  }
0x98: {  	[sflag:s9] =	ssyncset.done $0x0  }
0x99: {  	[sflag:s9] =	ssyncadd.s32 $0xFFFFC000  }
0x9a: {  	[hbm4b:s13+s3] =	stream.linear.scatter [tilespmem:s12], [sflag:$0x2], $0x4000, $0x38;
	[tilespmem:$0x8880] =	vst v63  }
0x9b: {  	_ = 	snop  }
0x9c: {  	[tilespmem:s10], [sflag:$0x1] =	stream.indirect.gather [hbm4b:s2+s11], $0x80, s17, s11, $0xb8;
	[tilespmem:$0x8880] =	vst v63  }
0x9d: {  	_ =	swait.ge [sflag:s9], $0x4000  }
0x9e: {  	[sflag:s9] =	ssyncset.done $0x0  }
0x9f: {  	s0 =	rddreg [dreg:$0x15];
	[sflag:s9] =	ssyncadd.s32 $0xFFFFC000  }
0xa0: {  	[hbm4b:s0+s3] =	stream.linear.scatter [tilespmem:s10], [sflag:$0x3], $0x4000, $0x38;
	[tilespmem:$0x8880] =	vst v63  }
0xa1: {  	_ =	swait.ge [sflag:s7], $0x4000  }
0xa2: {  	[sflag:s7] =	ssyncset.done $0x0  }
0xa3: {  	[sflag:s7] =	ssyncadd.s32 $0xFFFFC000  }
0xa4: {  	_ =	swait.ge [sflag:s6], $0x4000  }
0xa5: {  	[sflag:s6] =	ssyncset.done $0x0  }
0xa6: {  	[sflag:s6] =	ssyncadd.s32 $0xFFFFC000  }
0xa7: {  	[tilespmem:s12], [sflag:$0x1] =	stream.indirect.gather [hbm4b:s2+s11], $0x80, s16, s11, $0xb8;
	[tilespmem:$0x8880] =	vst v63  }
0xa8: {  	_ =	swait.ge [sflag:s9], $0x4000  }
0xa9: {  	[sflag:s9] =	ssyncset.done $0x0  }
0xaa: {  	[sflag:s9] =	ssyncadd.s32 $0xFFFFC000  }
0xab: {  	[hbm4b:s8+s3] =	stream.linear.scatter [tilespmem:s12], [sflag:$0x2], $0x4000, $0x38;
	[tilespmem:$0x8880] =	vst v63  }
0xac: {  	_ = 	snop  }
0xad: {  	[tilespmem:s10], [sflag:$0x1] =	stream.indirect.gather [hbm4b:s2+s11], $0x80, s15, s11, $0xb8;
	[tilespmem:$0x8880] =	vst v63  }
0xae: {  	_ =	swait.ge [sflag:s9], $0x4000  }
0xaf: {  	[sflag:s9] =	ssyncset.done $0x0  }
0xb0: {  	p1 =	sne.s32 s1, $0x1;
	[sflag:s9] =	ssyncadd.s32 $0xFFFFC000  }
0xb1: {  	[hbm4b:s5+s3] =	stream.linear.scatter [tilespmem:s10], [sflag:$0x3], $0x4000, $0x38;
	[tilespmem:$0x8880] =	vst v63  }
.Ltmp1:
0xb2: {  	_ =	swait.ge [sflag:s7], $0x4000;
	(pc) =	sbr.rel @!p1 .LBB2_3-.Ltmp1, $4  }
0xb3: {  	[sflag:s7] =	ssyncset.done $0x0  }
0xb4: {  	[sflag:s7] =	ssyncadd.s32 $0xFFFFC000  }
0xb5: {  	s1 =	sadd.s32 $0xFFFFFFFF, s1;
	_ =	swait.ge [sflag:s6], $0x4000  }
0xb6: {  	p0 =	por $0x1, $0x1;
	s0 =	rddreg [dreg:$0x7];
	[sflag:s6] =	ssyncset.done $0x0  }
.LBB2_2:
0xb7: {  	[sflag:s6] =	ssyncadd.s32 $0xFFFFC000  }
0xb8: {  	[tilespmem:s3], [sflag:$0x4] =	stream.linear.gather [hbm4b:s0+s3], $0x680, $0x38;
	[tilespmem:$0x8880] =	vst v63  }
0xb9: {  	_ =	swait.ge [sflag:s14], $0x680  }
0xba: {  	[sflag:s14] =	ssyncset.done $0x0  }
0xbb: {  	[sflag:s14] =	ssyncadd.s32 $0xFFFFF980  }
0xbc: {  	[tilespmem:s12], [sflag:$0x1] =	stream.indirect.gather [hbm4b:s4+s11], $0x80, s3, s11, $0xb8;
	[tilespmem:$0x8880] =	vst v63  }
0xbd: {  	_ =	swait.ge [sflag:s9], $0x4000  }
0xbe: {  	[sflag:s9] =	ssyncset.done $0x0  }
0xbf: {  	[sflag:s9] =	ssyncadd.s32 $0xFFFFC000  }
0xc0: {  	[hbm4b:s26+s3] =	stream.linear.scatter [tilespmem:s12], [sflag:$0x2], $0x4000, $0x38;
	[tilespmem:$0x8880] =	vst v63  }
0xc1: {  	_ = 	snop  }
0xc2: {  	[tilespmem:s10], [sflag:$0x1] =	stream.indirect.gather [hbm4b:s4+s11], $0x80, s11, s11, $0xb8;
	[tilespmem:$0x8880] =	vst v63  }
0xc3: {  	_ =	swait.ge [sflag:s9], $0x4000  }
0xc4: {  	[sflag:s9] =	ssyncset.done $0x0  }
0xc5: {  	s0 =	rddreg [dreg:$0xa];
	[sflag:s9] =	ssyncadd.s32 $0xFFFFC000  }
0xc6: {  	[hbm4b:s0+s3] =	stream.linear.scatter [tilespmem:s10], [sflag:$0x3], $0x4000, $0x38;
	[tilespmem:$0x8880] =	vst v63  }
0xc7: {  	_ =	swait.ge [sflag:s7], $0x4000  }
0xc8: {  	[sflag:s7] =	ssyncset.done $0x0  }
0xc9: {  	[sflag:s7] =	ssyncadd.s32 $0xFFFFC000  }
0xca: {  	_ =	swait.ge [sflag:s6], $0x4000  }
0xcb: {  	[sflag:s6] =	ssyncset.done $0x0  }
0xcc: {  	[sflag:s6] =	ssyncadd.s32 $0xFFFFC000  }
0xcd: {  	[tilespmem:s12], [sflag:$0x1] =	stream.indirect.gather [hbm4b:s4+s11], $0x80, s31, s11, $0xb8;
	[tilespmem:$0x8880] =	vst v63  }
0xce: {  	_ =	swait.ge [sflag:s9], $0x4000  }
0xcf: {  	[sflag:s9] =	ssyncset.done $0x0  }
0xd0: {  	s0 =	rddreg [dreg:$0xb];
	[sflag:s9] =	ssyncadd.s32 $0xFFFFC000  }
0xd1: {  	[hbm4b:s0+s3] =	stream.linear.scatter [tilespmem:s12], [sflag:$0x2], $0x4000, $0x38;
	[tilespmem:$0x8880] =	vst v63  }
0xd2: {  	_ = 	snop  }
0xd3: {  	[tilespmem:s10], [sflag:$0x1] =	stream.indirect.gather [hbm4b:s4+s11], $0x80, s30, s11, $0xb8;
	[tilespmem:$0x8880] =	vst v63  }
0xd4: {  	_ =	swait.ge [sflag:s9], $0x4000  }
0xd5: {  	[sflag:s9] =	ssyncset.done $0x0  }
0xd6: {  	s0 =	rddreg [dreg:$0xc];
	[sflag:s9] =	ssyncadd.s32 $0xFFFFC000  }
0xd7: {  	[hbm4b:s0+s3] =	stream.linear.scatter [tilespmem:s10], [sflag:$0x3], $0x4000, $0x38;
	[tilespmem:$0x8880] =	vst v63  }
0xd8: {  	_ =	swait.ge [sflag:s7], $0x4000  }
0xd9: {  	[sflag:s7] =	ssyncset.done $0x0  }
0xda: {  	[sflag:s7] =	ssyncadd.s32 $0xFFFFC000  }
0xdb: {  	_ =	swait.ge [sflag:s6], $0x4000  }
0xdc: {  	[sflag:s6] =	ssyncset.done $0x0  }
0xdd: {  	[sflag:s6] =	ssyncadd.s32 $0xFFFFC000  }
0xde: {  	[tilespmem:s12], [sflag:$0x1] =	stream.indirect.gather [hbm4b:s4+s11], $0x80, s29, s11, $0xb8;
	[tilespmem:$0x8880] =	vst v63  }
0xdf: {  	_ =	swait.ge [sflag:s9], $0x4000  }
0xe0: {  	[sflag:s9] =	ssyncset.done $0x0  }
0xe1: {  	s0 =	rddreg [dreg:$0xd];
	[sflag:s9] =	ssyncadd.s32 $0xFFFFC000  }
0xe2: {  	[hbm4b:s0+s3] =	stream.linear.scatter [tilespmem:s12], [sflag:$0x2], $0x4000, $0x38;
	[tilespmem:$0x8880] =	vst v63  }
0xe3: {  	_ = 	snop  }
0xe4: {  	[tilespmem:s10], [sflag:$0x1] =	stream.indirect.gather [hbm4b:s4+s11], $0x80, s28, s11, $0xb8;
	[tilespmem:$0x8880] =	vst v63  }
0xe5: {  	_ =	swait.ge [sflag:s9], $0x4000  }
0xe6: {  	[sflag:s9] =	ssyncset.done $0x0  }
0xe7: {  	s0 =	rddreg [dreg:$0xe];
	[sflag:s9] =	ssyncadd.s32 $0xFFFFC000  }
0xe8: {  	[hbm4b:s0+s3] =	stream.linear.scatter [tilespmem:s10], [sflag:$0x3], $0x4000, $0x38;
	[tilespmem:$0x8880] =	vst v63  }
0xe9: {  	_ =	swait.ge [sflag:s7], $0x4000  }
0xea: {  	[sflag:s7] =	ssyncset.done $0x0  }
0xeb: {  	[sflag:s7] =	ssyncadd.s32 $0xFFFFC000  }
0xec: {  	_ =	swait.ge [sflag:s6], $0x4000  }
0xed: {  	[sflag:s6] =	ssyncset.done $0x0  }
0xee: {  	[sflag:s6] =	ssyncadd.s32 $0xFFFFC000  }
0xef: {  	[tilespmem:s12], [sflag:$0x1] =	stream.indirect.gather [hbm4b:s4+s11], $0x80, s25, s11, $0xb8;
	[tilespmem:$0x8880] =	vst v63  }
0xf0: {  	_ =	swait.ge [sflag:s9], $0x4000  }
0xf1: {  	[sflag:s9] =	ssyncset.done $0x0  }
0xf2: {  	s0 =	rddreg [dreg:$0xf];
	[sflag:s9] =	ssyncadd.s32 $0xFFFFC000  }
0xf3: {  	[hbm4b:s0+s3] =	stream.linear.scatter [tilespmem:s12], [sflag:$0x2], $0x4000, $0x38;
	[tilespmem:$0x8880] =	vst v63  }
0xf4: {  	_ = 	snop  }
0xf5: {  	[tilespmem:s10], [sflag:$0x1] =	stream.indirect.gather [hbm4b:s4+s11], $0x80, s24, s11, $0xb8;
	[tilespmem:$0x8880] =	vst v63  }
0xf6: {  	_ =	swait.ge [sflag:s9], $0x4000  }
0xf7: {  	[sflag:s9] =	ssyncset.done $0x0  }
0xf8: {  	s0 =	rddreg [dreg:$0x10];
	[sflag:s9] =	ssyncadd.s32 $0xFFFFC000  }
0xf9: {  	[hbm4b:s0+s3] =	stream.linear.scatter [tilespmem:s10], [sflag:$0x3], $0x4000, $0x38;
	[tilespmem:$0x8880] =	vst v63  }
0xfa: {  	_ =	swait.ge [sflag:s7], $0x4000  }
0xfb: {  	[sflag:s7] =	ssyncset.done $0x0  }
0xfc: {  	[sflag:s7] =	ssyncadd.s32 $0xFFFFC000  }
0xfd: {  	_ =	swait.ge [sflag:s6], $0x4000  }
0xfe: {  	[sflag:s6] =	ssyncset.done $0x0  }
0xff: {  	[sflag:s6] =	ssyncadd.s32 $0xFFFFC000  }
0x100: {  	[tilespmem:s12], [sflag:$0x1] =	stream.indirect.gather [hbm4b:s4+s11], $0x80, s23, s11, $0xb8;
	[tilespmem:$0x8880] =	vst v63  }
0x101: {  	_ =	swait.ge [sflag:s9], $0x4000  }
0x102: {  	[sflag:s9] =	ssyncset.done $0x0  }
0x103: {  	s0 =	rddreg [dreg:$0x11];
	[sflag:s9] =	ssyncadd.s32 $0xFFFFC000  }
0x104: {  	[hbm4b:s0+s3] =	stream.linear.scatter [tilespmem:s12], [sflag:$0x2], $0x4000, $0x38;
	[tilespmem:$0x8880] =	vst v63  }
0x105: {  	_ = 	snop  }
0x106: {  	[tilespmem:s10], [sflag:$0x1] =	stream.indirect.gather [hbm4b:s4+s11], $0x80, s22, s11, $0xb8;
	[tilespmem:$0x8880] =	vst v63  }
0x107: {  	_ =	swait.ge [sflag:s9], $0x4000  }
0x108: {  	[sflag:s9] =	ssyncset.done $0x0  }
0x109: {  	s0 =	rddreg [dreg:$0x12];
	[sflag:s9] =	ssyncadd.s32 $0xFFFFC000  }
0x10a: {  	[hbm4b:s0+s3] =	stream.linear.scatter [tilespmem:s10], [sflag:$0x3], $0x4000, $0x38;
	[tilespmem:$0x8880] =	vst v63  }
0x10b: {  	_ =	swait.ge [sflag:s7], $0x4000  }
0x10c: {  	[sflag:s7] =	ssyncset.done $0x0  }
0x10d: {  	[sflag:s7] =	ssyncadd.s32 $0xFFFFC000  }
0x10e: {  	_ =	swait.ge [sflag:s6], $0x4000  }
0x10f: {  	[sflag:s6] =	ssyncset.done $0x0  }
0x110: {  	[sflag:s6] =	ssyncadd.s32 $0xFFFFC000  }
0x111: {  	[tilespmem:s12], [sflag:$0x1] =	stream.indirect.gather [hbm4b:s4+s11], $0x80, s21, s11, $0xb8;
	[tilespmem:$0x8880] =	vst v63  }
0x112: {  	_ =	swait.ge [sflag:s9], $0x4000  }
0x113: {  	[sflag:s9] =	ssyncset.done $0x0  }
0x114: {  	s0 =	rddreg [dreg:$0x13];
	[sflag:s9] =	ssyncadd.s32 $0xFFFFC000  }
0x115: {  	[hbm4b:s0+s3] =	stream.linear.scatter [tilespmem:s12], [sflag:$0x2], $0x4000, $0x38;
	[tilespmem:$0x8880] =	vst v63  }
0x116: {  	_ = 	snop  }
0x117: {  	[tilespmem:s10], [sflag:$0x1] =	stream.indirect.gather [hbm4b:s4+s11], $0x80, s20, s11, $0xb8;
	[tilespmem:$0x8880] =	vst v63  }
0x118: {  	_ =	swait.ge [sflag:s9], $0x4000  }
0x119: {  	[sflag:s9] =	ssyncset.done $0x0  }
0x11a: {  	s0 =	rddreg [dreg:$0x14];
	[sflag:s9] =	ssyncadd.s32 $0xFFFFC000  }
0x11b: {  	[hbm4b:s0+s3] =	stream.linear.scatter [tilespmem:s10], [sflag:$0x3], $0x4000, $0x38;
	[tilespmem:$0x8880] =	vst v63  }
0x11c: {  	_ =	swait.ge [sflag:s7], $0x4000  }
0x11d: {  	[sflag:s7] =	ssyncset.done $0x0  }
0x11e: {  	[sflag:s7] =	ssyncadd.s32 $0xFFFFC000  }
0x11f: {  	[tilespmem:s12], [sflag:$0x1] =	stream.indirect.gather [hbm4b:s4+s11], $0x80, s19, s11, $0xb8;
	[tilespmem:$0x8880] =	vst v63  }
0x120: {  	_ =	swait.ge [sflag:s9], $0x4000  }
0x121: {  	[sflag:s9] =	ssyncset.done $0x0  }
0x122: {  	s0 =	rddreg [dreg:$0x8];
	[sflag:s9] =	ssyncadd.s32 $0xFFFFC000  }
0x123: {  	[hbm4b:s0+s3] =	stream.linear.scatter [tilespmem:s12], [sflag:$0x2], $0x4000, $0x38;
	[tilespmem:$0x8880] =	vst v63  }
0x124: {  	_ =	swait.ge [sflag:s7], $0x4000  }
0x125: {  	[sflag:s7] =	ssyncset.done $0x0  }
0x126: {  	[sflag:s7] =	ssyncadd.s32 $0xFFFFC000  }
0x127: {  	_ =	swait.ge [sflag:s6], $0x4000  }
0x128: {  	[sflag:s6] =	ssyncset.done $0x0  }
0x129: {  	s0 =	rddreg [dreg:$0x9];
	[sflag:s6] =	ssyncadd.s32 $0xFFFFC000  }
0x12a: {  	[tilespmem:s18], [sflag:$0x4] =	stream.linear.gather [hbm4b:s0+s3], $0x200, $0x38;
	[tilespmem:$0x8880] =	vst v63  }
0x12b: {  	_ =	swait.ge [sflag:s14], $0x200  }
0x12c: {  	[sflag:s14] =	ssyncset.done $0x0  }
0x12d: {  	[sflag:s14] =	ssyncadd.s32 $0xFFFFFE00  }
0x12e: {  	[tilespmem:s12], [sflag:$0x1] =	stream.indirect.gather [hbm4b:s2+s11], $0x80, s18, s11, $0xb8;
	[tilespmem:$0x8880] =	vst v63  }
0x12f: {  	_ =	swait.ge [sflag:s9], $0x4000  }
0x130: {  	[sflag:s9] =	ssyncset.done $0x0  }
0x131: {  	[sflag:s9] =	ssyncadd.s32 $0xFFFFC000  }
0x132: {  	[hbm4b:s13+s3] =	stream.linear.scatter [tilespmem:s12], [sflag:$0x2], $0x4000, $0x38;
	[tilespmem:$0x8880] =	vst v63  }
0x133: {  	_ = 	snop  }
0x134: {  	[tilespmem:s10], [sflag:$0x1] =	stream.indirect.gather [hbm4b:s2+s11], $0x80, s17, s11, $0xb8;
	[tilespmem:$0x8880] =	vst v63  }
0x135: {  	_ =	swait.ge [sflag:s9], $0x4000  }
0x136: {  	[sflag:s9] =	ssyncset.done $0x0  }
0x137: {  	s0 =	rddreg [dreg:$0x15];
	[sflag:s9] =	ssyncadd.s32 $0xFFFFC000  }
0x138: {  	[hbm4b:s0+s3] =	stream.linear.scatter [tilespmem:s10], [sflag:$0x3], $0x4000, $0x38;
	[tilespmem:$0x8880] =	vst v63  }
0x139: {  	_ =	swait.ge [sflag:s7], $0x4000  }
0x13a: {  	[sflag:s7] =	ssyncset.done $0x0  }
0x13b: {  	[sflag:s7] =	ssyncadd.s32 $0xFFFFC000  }
0x13c: {  	_ =	swait.ge [sflag:s6], $0x4000  }
0x13d: {  	[sflag:s6] =	ssyncset.done $0x0  }
0x13e: {  	[sflag:s6] =	ssyncadd.s32 $0xFFFFC000  }
0x13f: {  	[tilespmem:s12], [sflag:$0x1] =	stream.indirect.gather [hbm4b:s2+s11], $0x80, s16, s11, $0xb8;
	[tilespmem:$0x8880] =	vst v63  }
0x140: {  	_ =	swait.ge [sflag:s9], $0x4000  }
0x141: {  	[sflag:s9] =	ssyncset.done $0x0  }
0x142: {  	[sflag:s9] =	ssyncadd.s32 $0xFFFFC000  }
0x143: {  	[hbm4b:s8+s3] =	stream.linear.scatter [tilespmem:s12], [sflag:$0x2], $0x4000, $0x38;
	[tilespmem:$0x8880] =	vst v63  }
0x144: {  	_ = 	snop  }
0x145: {  	[tilespmem:s10], [sflag:$0x1] =	stream.indirect.gather [hbm4b:s2+s11], $0x80, s15, s11, $0xb8;
	[tilespmem:$0x8880] =	vst v63  }
0x146: {  	_ =	swait.ge [sflag:s9], $0x4000  }
0x147: {  	[sflag:s9] =	ssyncset.done $0x0  }
0x148: {  	p1 =	sne.s32 s1, $0x1;
	[sflag:s9] =	ssyncadd.s32 $0xFFFFC000  }
0x149: {  	[hbm4b:s5+s3] =	stream.linear.scatter [tilespmem:s10], [sflag:$0x3], $0x4000, $0x38;
	[tilespmem:$0x8880] =	vst v63  }
.Ltmp2:
0x14a: {  	_ =	swait.ge [sflag:s7], $0x4000;
	(pc) =	sbr.rel @p1 .LBB2_2-.Ltmp2, $4  }
0x14b: {  	[sflag:s7] =	ssyncset.done $0x0  }
0x14c: {  	[sflag:s7] =	ssyncadd.s32 $0xFFFFC000  }
0x14d: {  	_ =	swait.ge [sflag:s6], $0x4000  }
0x14e: {  	s1 =	sadd.s32 $0xFFFFFFFF, s1;
	s0 =	rddreg [dreg:$0x7];
	[sflag:s6] =	ssyncset.done $0x0  }
.LBB2_3:
0x14f: {  	[sflag:s6] =	ssyncadd.s32 @p0 $0xFFFFC000  }
0x150: {  	[tilespmem:s3], [sflag:$0x4] =	stream.linear.gather [hbm4b:s0+s3], $0x680, $0x38;
	[tilespmem:$0x8880] =	vst v63  }
0x151: {  	_ =	swait.ge [sflag:s14], $0x680  }
0x152: {  	[sflag:s14] =	ssyncset.done $0x0  }
0x153: {  	[sflag:s14] =	ssyncadd.s32 $0xFFFFF980  }
0x154: {  	[tilespmem:s12], [sflag:$0x1] =	stream.indirect.gather [hbm4b:s4+s11], $0x80, s3, s11, $0xb8;
	[tilespmem:$0x8880] =	vst v63  }
0x155: {  	_ =	swait.ge [sflag:s9], $0x4000  }
0x156: {  	[sflag:s9] =	ssyncset.done $0x0  }
0x157: {  	[sflag:s9] =	ssyncadd.s32 $0xFFFFC000  }
0x158: {  	[hbm4b:s26+s3] =	stream.linear.scatter [tilespmem:s12], [sflag:$0x2], $0x4000, $0x38;
	[tilespmem:$0x8880] =	vst v63  }
0x159: {  	_ = 	snop  }
0x15a: {  	[tilespmem:s10], [sflag:$0x1] =	stream.indirect.gather [hbm4b:s4+s11], $0x80, s11, s11, $0xb8;
	[tilespmem:$0x8880] =	vst v63  }
0x15b: {  	_ =	swait.ge [sflag:s9], $0x4000  }
0x15c: {  	[sflag:s9] =	ssyncset.done $0x0  }
0x15d: {  	s26 =	rddreg [dreg:$0xa];
	[sflag:s9] =	ssyncadd.s32 $0xFFFFC000  }
0x15e: {  	[hbm4b:s26+s3] =	stream.linear.scatter [tilespmem:s10], [sflag:$0x3], $0x4000, $0x38;
	[tilespmem:$0x8880] =	vst v63  }
0x15f: {  	_ =	swait.ge [sflag:s7], $0x4000  }
0x160: {  	[sflag:s7] =	ssyncset.done $0x0  }
0x161: {  	[sflag:s7] =	ssyncadd.s32 $0xFFFFC000  }
0x162: {  	_ =	swait.ge [sflag:s6], $0x4000  }
0x163: {  	[sflag:s6] =	ssyncset.done $0x0  }
0x164: {  	[sflag:s6] =	ssyncadd.s32 $0xFFFFC000  }
0x165: {  	[tilespmem:s12], [sflag:$0x1] =	stream.indirect.gather [hbm4b:s4+s11], $0x80, s31, s11, $0xb8;
	[tilespmem:$0x8880] =	vst v63  }
0x166: {  	_ =	swait.ge [sflag:s9], $0x4000  }
0x167: {  	[sflag:s9] =	ssyncset.done $0x0  }
0x168: {  	s1 =	rddreg [dreg:$0xb];
	[sflag:s9] =	ssyncadd.s32 $0xFFFFC000  }
0x169: {  	[hbm4b:s1+s3] =	stream.linear.scatter [tilespmem:s12], [sflag:$0x2], $0x4000, $0x38;
	[tilespmem:$0x8880] =	vst v63  }
0x16a: {  	_ = 	snop  }
0x16b: {  	[tilespmem:s10], [sflag:$0x1] =	stream.indirect.gather [hbm4b:s4+s11], $0x80, s30, s11, $0xb8;
	[tilespmem:$0x8880] =	vst v63  }
0x16c: {  	_ =	swait.ge [sflag:s9], $0x4000  }
0x16d: {  	[sflag:s9] =	ssyncset.done $0x0  }
0x16e: {  	s26 =	rddreg [dreg:$0xc];
	[sflag:s9] =	ssyncadd.s32 $0xFFFFC000  }
0x16f: {  	[hbm4b:s26+s3] =	stream.linear.scatter [tilespmem:s10], [sflag:$0x3], $0x4000, $0x38;
	[tilespmem:$0x8880] =	vst v63  }
0x170: {  	_ =	swait.ge [sflag:s7], $0x4000  }
0x171: {  	[sflag:s7] =	ssyncset.done $0x0  }
0x172: {  	[sflag:s7] =	ssyncadd.s32 $0xFFFFC000  }
0x173: {  	_ =	swait.ge [sflag:s6], $0x4000  }
0x174: {  	[sflag:s6] =	ssyncset.done $0x0  }
0x175: {  	[sflag:s6] =	ssyncadd.s32 $0xFFFFC000  }
0x176: {  	[tilespmem:s12], [sflag:$0x1] =	stream.indirect.gather [hbm4b:s4+s11], $0x80, s29, s11, $0xb8;
	[tilespmem:$0x8880] =	vst v63  }
0x177: {  	_ =	swait.ge [sflag:s9], $0x4000  }
0x178: {  	[sflag:s9] =	ssyncset.done $0x0  }
0x179: {  	s29 =	rddreg [dreg:$0xd];
	[sflag:s9] =	ssyncadd.s32 $0xFFFFC000  }
0x17a: {  	[hbm4b:s29+s3] =	stream.linear.scatter [tilespmem:s12], [sflag:$0x2], $0x4000, $0x38;
	[tilespmem:$0x8880] =	vst v63  }
0x17b: {  	_ = 	snop  }
0x17c: {  	[tilespmem:s10], [sflag:$0x1] =	stream.indirect.gather [hbm4b:s4+s11], $0x80, s28, s11, $0xb8;
	[tilespmem:$0x8880] =	vst v63  }
0x17d: {  	_ =	swait.ge [sflag:s9], $0x4000  }
0x17e: {  	[sflag:s9] =	ssyncset.done $0x0  }
0x17f: {  	s30 =	rddreg [dreg:$0xe];
	[sflag:s9] =	ssyncadd.s32 $0xFFFFC000  }
0x180: {  	[hbm4b:s30+s3] =	stream.linear.scatter [tilespmem:s10], [sflag:$0x3], $0x4000, $0x38;
	[tilespmem:$0x8880] =	vst v63  }
0x181: {  	_ =	swait.ge [sflag:s7], $0x4000  }
0x182: {  	[sflag:s7] =	ssyncset.done $0x0  }
0x183: {  	[sflag:s7] =	ssyncadd.s32 $0xFFFFC000  }
0x184: {  	_ =	swait.ge [sflag:s6], $0x4000  }
0x185: {  	[sflag:s6] =	ssyncset.done $0x0  }
0x186: {  	[sflag:s6] =	ssyncadd.s32 $0xFFFFC000  }
0x187: {  	[tilespmem:s12], [sflag:$0x1] =	stream.indirect.gather [hbm4b:s4+s11], $0x80, s25, s11, $0xb8;
	[tilespmem:$0x8880] =	vst v63  }
0x188: {  	_ =	swait.ge [sflag:s9], $0x4000  }
0x189: {  	[sflag:s9] =	ssyncset.done $0x0  }
0x18a: {  	s31 =	rddreg [dreg:$0xf];
	[sflag:s9] =	ssyncadd.s32 $0xFFFFC000  }
0x18b: {  	[hbm4b:s31+s3] =	stream.linear.scatter [tilespmem:s12], [sflag:$0x2], $0x4000, $0x38;
	[tilespmem:$0x8880] =	vst v63  }
0x18c: {  	_ = 	snop  }
0x18d: {  	[tilespmem:s10], [sflag:$0x1] =	stream.indirect.gather [hbm4b:s4+s11], $0x80, s24, s11, $0xb8;
	[tilespmem:$0x8880] =	vst v63  }
0x18e: {  	_ =	swait.ge [sflag:s9], $0x4000  }
0x18f: {  	[sflag:s9] =	ssyncset.done $0x0  }
0x190: {  	s1 =	rddreg [dreg:$0x10];
	[sflag:s9] =	ssyncadd.s32 $0xFFFFC000  }
0x191: {  	[hbm4b:s1+s3] =	stream.linear.scatter [tilespmem:s10], [sflag:$0x3], $0x4000, $0x38;
	[tilespmem:$0x8880] =	vst v63  }
0x192: {  	_ =	swait.ge [sflag:s7], $0x4000  }
0x193: {  	[sflag:s7] =	ssyncset.done $0x0  }
0x194: {  	[sflag:s7] =	ssyncadd.s32 $0xFFFFC000  }
0x195: {  	_ =	swait.ge [sflag:s6], $0x4000  }
0x196: {  	[sflag:s6] =	ssyncset.done $0x0  }
0x197: {  	[sflag:s6] =	ssyncadd.s32 $0xFFFFC000  }
0x198: {  	[tilespmem:s12], [sflag:$0x1] =	stream.indirect.gather [hbm4b:s4+s11], $0x80, s23, s11, $0xb8;
	[tilespmem:$0x8880] =	vst v63  }
0x199: {  	_ =	swait.ge [sflag:s9], $0x4000  }
0x19a: {  	[sflag:s9] =	ssyncset.done $0x0  }
0x19b: {  	s23 =	rddreg [dreg:$0x11];
	[sflag:s9] =	ssyncadd.s32 $0xFFFFC000  }
0x19c: {  	[hbm4b:s23+s3] =	stream.linear.scatter [tilespmem:s12], [sflag:$0x2], $0x4000, $0x38;
	[tilespmem:$0x8880] =	vst v63  }
0x19d: {  	_ = 	snop  }
0x19e: {  	[tilespmem:s10], [sflag:$0x1] =	stream.indirect.gather [hbm4b:s4+s11], $0x80, s22, s11, $0xb8;
	[tilespmem:$0x8880] =	vst v63  }
0x19f: {  	_ =	swait.ge [sflag:s9], $0x4000  }
0x1a0: {  	[sflag:s9] =	ssyncset.done $0x0  }
0x1a1: {  	s24 =	rddreg [dreg:$0x12];
	[sflag:s9] =	ssyncadd.s32 $0xFFFFC000  }
0x1a2: {  	[hbm4b:s24+s3] =	stream.linear.scatter [tilespmem:s10], [sflag:$0x3], $0x4000, $0x38;
	[tilespmem:$0x8880] =	vst v63  }
0x1a3: {  	_ =	swait.ge [sflag:s7], $0x4000  }
0x1a4: {  	[sflag:s7] =	ssyncset.done $0x0  }
0x1a5: {  	[sflag:s7] =	ssyncadd.s32 $0xFFFFC000  }
0x1a6: {  	_ =	swait.ge [sflag:s6], $0x4000  }
0x1a7: {  	[sflag:s6] =	ssyncset.done $0x0  }
0x1a8: {  	[sflag:s6] =	ssyncadd.s32 $0xFFFFC000  }
0x1a9: {  	[tilespmem:s12], [sflag:$0x1] =	stream.indirect.gather [hbm4b:s4+s11], $0x80, s21, s11, $0xb8;
	[tilespmem:$0x8880] =	vst v63  }
0x1aa: {  	_ =	swait.ge [sflag:s9], $0x4000  }
0x1ab: {  	[sflag:s9] =	ssyncset.done $0x0  }
0x1ac: {  	s25 =	rddreg [dreg:$0x13];
	[sflag:s9] =	ssyncadd.s32 $0xFFFFC000  }
0x1ad: {  	[hbm4b:s25+s3] =	stream.linear.scatter [tilespmem:s12], [sflag:$0x2], $0x4000, $0x38;
	[tilespmem:$0x8880] =	vst v63  }
0x1ae: {  	_ = 	snop  }
0x1af: {  	[tilespmem:s10], [sflag:$0x1] =	stream.indirect.gather [hbm4b:s4+s11], $0x80, s20, s11, $0xb8;
	[tilespmem:$0x8880] =	vst v63  }
0x1b0: {  	_ =	swait.ge [sflag:s9], $0x4000  }
0x1b1: {  	[sflag:s9] =	ssyncset.done $0x0  }
0x1b2: {  	s26 =	rddreg [dreg:$0x14];
	[sflag:s9] =	ssyncadd.s32 $0xFFFFC000  }
0x1b3: {  	[hbm4b:s26+s3] =	stream.linear.scatter [tilespmem:s10], [sflag:$0x3], $0x4000, $0x38;
	[tilespmem:$0x8880] =	vst v63  }
0x1b4: {  	_ =	swait.ge [sflag:s7], $0x4000  }
0x1b5: {  	[sflag:s7] =	ssyncset.done $0x0  }
0x1b6: {  	[sflag:s7] =	ssyncadd.s32 $0xFFFFC000  }
0x1b7: {  	[tilespmem:s12], [sflag:$0x1] =	stream.indirect.gather [hbm4b:s4+s11], $0x80, s19, s11, $0xb8;
	[tilespmem:$0x8880] =	vst v63  }
0x1b8: {  	_ =	swait.ge [sflag:s9], $0x4000  }
0x1b9: {  	[sflag:s9] =	ssyncset.done $0x0  }
0x1ba: {  	s28 =	rddreg [dreg:$0x8];
	[sflag:s9] =	ssyncadd.s32 $0xFFFFC000  }
0x1bb: {  	[hbm4b:s28+s3] =	stream.linear.scatter [tilespmem:s12], [sflag:$0x2], $0x4000, $0x38;
	[tilespmem:$0x8880] =	vst v63  }
0x1bc: {  	_ =	swait.ge [sflag:s7], $0x4000  }
0x1bd: {  	[sflag:s7] =	ssyncset.done $0x0  }
0x1be: {  	[sflag:s7] =	ssyncadd.s32 $0xFFFFC000  }
0x1bf: {  	_ =	swait.ge [sflag:s6], $0x4000  }
0x1c0: {  	[sflag:s6] =	ssyncset.done $0x0  }
0x1c1: {  	s29 =	rddreg [dreg:$0x9];
	[sflag:s6] =	ssyncadd.s32 $0xFFFFC000  }
0x1c2: {  	[tilespmem:s18], [sflag:$0x4] =	stream.linear.gather [hbm4b:s29+s3], $0x200, $0x38;
	[tilespmem:$0x8880] =	vst v63  }
0x1c3: {  	_ =	swait.ge [sflag:s14], $0x200  }
0x1c4: {  	[sflag:s14] =	ssyncset.done $0x0  }
0x1c5: {  	[sflag:s14] =	ssyncadd.s32 $0xFFFFFE00  }
0x1c6: {  	[tilespmem:s12], [sflag:$0x1] =	stream.indirect.gather [hbm4b:s2+s11], $0x80, s18, s11, $0xb8;
	[tilespmem:$0x8880] =	vst v63  }
0x1c7: {  	_ =	swait.ge [sflag:s9], $0x4000  }
0x1c8: {  	[sflag:s9] =	ssyncset.done $0x0  }
0x1c9: {  	[sflag:s9] =	ssyncadd.s32 $0xFFFFC000  }
0x1ca: {  	[hbm4b:s13+s3] =	stream.linear.scatter [tilespmem:s12], [sflag:$0x2], $0x4000, $0x38;
	[tilespmem:$0x8880] =	vst v63  }
0x1cb: {  	_ = 	snop  }
0x1cc: {  	[tilespmem:s10], [sflag:$0x1] =	stream.indirect.gather [hbm4b:s2+s11], $0x80, s17, s11, $0xb8;
	[tilespmem:$0x8880] =	vst v63  }
0x1cd: {  	_ =	swait.ge [sflag:s9], $0x4000  }
0x1ce: {  	[sflag:s9] =	ssyncset.done $0x0  }
0x1cf: {  	s30 =	rddreg [dreg:$0x15];
	[sflag:s9] =	ssyncadd.s32 $0xFFFFC000  }
0x1d0: {  	[hbm4b:s30+s3] =	stream.linear.scatter [tilespmem:s10], [sflag:$0x3], $0x4000, $0x38;
	[tilespmem:$0x8880] =	vst v63  }
0x1d1: {  	_ =	swait.ge [sflag:s7], $0x4000  }
0x1d2: {  	[sflag:s7] =	ssyncset.done $0x0  }
0x1d3: {  	[sflag:s7] =	ssyncadd.s32 $0xFFFFC000  }
0x1d4: {  	_ =	swait.ge [sflag:s6], $0x4000  }
0x1d5: {  	[sflag:s6] =	ssyncset.done $0x0  }
0x1d6: {  	[sflag:s6] =	ssyncadd.s32 $0xFFFFC000  }
0x1d7: {  	[tilespmem:s12], [sflag:$0x1] =	stream.indirect.gather [hbm4b:s2+s11], $0x80, s16, s11, $0xb8;
	[tilespmem:$0x8880] =	vst v63  }
0x1d8: {  	_ =	swait.ge [sflag:s9], $0x4000  }
0x1d9: {  	[sflag:s9] =	ssyncset.done $0x0  }
0x1da: {  	[sflag:s9] =	ssyncadd.s32 $0xFFFFC000  }
0x1db: {  	[hbm4b:s8+s3] =	stream.linear.scatter [tilespmem:s12], [sflag:$0x2], $0x4000, $0x38;
	[tilespmem:$0x8880] =	vst v63  }
0x1dc: {  	_ = 	snop  }
0x1dd: {  	[tilespmem:s10], [sflag:$0x1] =	stream.indirect.gather [hbm4b:s2+s11], $0x80, s15, s11, $0xb8;
	[tilespmem:$0x8880] =	vst v63  }
0x1de: {  	_ =	swait.ge [sflag:s9], $0x4000  }
0x1df: {  	[sflag:s9] =	ssyncset.done $0x0  }
0x1e0: {  	[sflag:s9] =	ssyncadd.s32 $0xFFFFC000  }
0x1e1: {  	[hbm4b:s5+s3] =	stream.linear.scatter [tilespmem:s10], [sflag:$0x3], $0x4000, $0x38;
	[tilespmem:$0x8880] =	vst v63  }
0x1e2: {  	_ =	swait.ge [sflag:s7], $0x4000  }
0x1e3: {  	[sflag:s7] =	ssyncset.done $0x0  }
0x1e4: {  	[sflag:s7] =	ssyncadd.s32 $0xFFFFC000  }
0x1e5: {  	_ =	swait.ge [sflag:s6], $0x4000  }
0x1e6: {  	[sflag:s6] =	ssyncset.done $0x0  }
0x1e7: {  	[sflag:s6] =	ssyncadd.s32 $0xFFFFC000  }
0x1e8: {  	_ =	sfence.sel $0x180000  }
0x1e9: {  	[bflag:$0x0] =	sbarrier.arrive $0xFFFF  }
0x1ea: {  	_ =	strace $0x90000047  }
0x1eb: {  	s31 =	stileid.u32;
	[bflag:$0x2] =	sbarrier.arrive $0xFFFF  }
0x1ec: {  	p0 =	sne.s32 s31, $0x0;
	s0 =	rddreg [dreg:$0x6]  }
0x1ed: {  	s0 =	sadd.s32 @!p0 $0x100000, s0  }
0x1ee: {  	[sflag:s0] =	ssyncadd.tile.s32 @!p0 $0x1;
	_ =	shalt  }
.Lfunc_end2:
_tile_overlayer_lowered:
.L_overlay_start_2:
0x1ef: {  	(tag) =	ssettag $0x2  }
0x1f0: {  	s0 =	rddreg [dreg:$0x0];
	s2 =	stileid.u32  }
0x1f1: {  	s1 =	rddreg [dreg:$0x1];
	p0 =	sne.s32 s2, $0x0  }
0x1f2: {  	s3 =	rddreg [dreg:$0x2];
	[bflag:$0x3] =	sbarrier.arrive $0xFFFF;
	s2 =	simm.s32 @!p0 $0x1C04  }
0x1f3: {  	[timem:s3], [sflag:s2] =	dma.local @!p0 [hbm:s0], s1  }
0x1f4: {  	s0 =	simm.s32 @!p0 $0x4  }
0x1f5: {  	_ =	swait.ge @!p0 [sflag:s0], s1  }
0x1f6: {  	s1 =	ssub.s32 @!p0 $0x0, s1;
	[sflag:s0] =	ssyncset.done @!p0 $0x0  }
0x1f7: {  	[sflag:s0] =	ssyncadd.s32 @!p0 s1  }
0x1f8: {  	[bflag:$0x3] =	sbarrier.arrive $0xFFFF  }
0x1f9: {  	_ =	shalt  }

</sc_bundles>
